<compile_context>
chip_gen: v7x
topology: tpu7x:2x2x1
jax: 0.10.2.dev20260603
libtpu: 0.0.44.dev20260713+nightly
codegen_flags: <defaults>
</compile_context>

<pallas_src>
import functools

import jax
import jax.numpy as jnp
from jax import lax
from jax.experimental import pallas as pl
from jax.experimental.pallas import tpu as pltpu
from jax.experimental.pallas import tpu_sc as plsc

_NUM_NODES = 10000
_DIM = 128
_NC = 2
_NS = 16
_SUB = 40
_NBUF = 9
_LOOK = 7


@functools.lru_cache(maxsize=None)
def _make_scatter(n_edges: int):
    nw = _NC * _NS
    per_tile = n_edges // nw
    assert per_tile * nw == n_edges
    n_loads = per_tile // _SUB
    assert n_loads * _SUB == per_tile
    assert n_loads >= _NBUF
    init_tiles = 10
    rows_per_init = _NUM_NODES // init_tiles

    mesh = plsc.VectorSubcoreMesh(core_axis_name="c", subcore_axis_name="s")

    @functools.partial(
        pl.kernel,
        mesh=mesh,
        out_type=jax.ShapeDtypeStruct((_NC * _NUM_NODES, _DIM), jnp.float32),
        scratch_types=(
            [pltpu.VMEM_SHARED((_NUM_NODES, _DIM), jnp.float32)]
            + [pltpu.VMEM((_SUB,), jnp.int32) for _ in range(_NBUF)]
            + [pltpu.VMEM((_SUB, _DIM), jnp.float32) for _ in range(_NBUF)]
            + [pltpu.SemaphoreType.DMA for _ in range(2 * _NBUF)]
        ),
    )
    def scatter_kernel(msg_hbm, tgt_hbm, zeros_hbm, part_hbm, acc, *rest):
        idx = rest[:_NBUF]
        mb = rest[_NBUF:2 * _NBUF]
        ls = rest[2 * _NBUF:3 * _NBUF]
        ss = rest[3 * _NBUF:4 * _NBUF]
        cid = lax.axis_index("c")
        sid = lax.axis_index("s")
        ebase = (cid * _NS + sid) * per_tile

        def start_load(j, b):
            e0 = ebase + j * _SUB
            pltpu.async_copy(tgt_hbm.at[pl.ds(e0, _SUB)], idx[b], ls[b])
            pltpu.async_copy(msg_hbm.at[pl.ds(e0, _SUB)], mb[b], ls[b])

        def wait_load(b):
            pltpu.make_async_copy(tgt_hbm.at[pl.ds(ebase, _SUB)], idx[b], ls[b]).wait()
            pltpu.make_async_copy(msg_hbm.at[pl.ds(ebase, _SUB)], mb[b], ls[b]).wait()

        def start_scat(b):
            pltpu.async_copy(mb[b], acc.at[idx[b]], ss[b], add=True)

        def wait_scat(b):
            pltpu.make_async_copy(mb[b], acc.at[idx[b]], ss[b]).wait()

        for b in range(_LOOK):
            start_load(b, b)

        @pl.when(sid < init_tiles)
        def _():
            pltpu.sync_copy(zeros_hbm, acc.at[pl.ds(sid * rows_per_init, rows_per_init)])

        plsc.subcore_barrier()

        lag = _NBUF - _LOOK

        def outer(t, carry):
            i0 = _NBUF * t
            for b in range(_NBUF):
                j = i0 + b
                bl = (b + _LOOK) % _NBUF

                @pl.when(j < n_loads)
                def _(j=j, b=b):
                    wait_load(b)
                    start_scat(b)

                @pl.when((j + _LOOK < n_loads) & (j >= lag))
                def _(j=j, bl=bl):
                    wait_scat(bl)
                    start_load(j + _LOOK, bl)

                @pl.when((j + _LOOK < n_loads) & (j < lag))
                def _(j=j, bl=bl):
                    start_load(j + _LOOK, bl)

            return carry

        lax.fori_loop(0, (n_loads + _NBUF - 1) // _NBUF, outer, 0)
        for b in range(_NBUF):
            wait_scat(b)
        plsc.subcore_barrier()

        @pl.when(sid < init_tiles)
        def _():
            out_base = cid * _NUM_NODES + sid * rows_per_init
            pltpu.sync_copy(
                acc.at[pl.ds(sid * rows_per_init, rows_per_init)],
                part_hbm.at[pl.ds(out_base, rows_per_init)],
            )

    return scatter_kernel


def _add_block(a_ref, b_ref, o_ref):
    o_ref[...] = a_ref[...] + b_ref[...]


_ROWS_PER_BLOCK = 5000


def _combine(parts):
    n_blocks = _NUM_NODES // _ROWS_PER_BLOCK
    spec_a = pl.BlockSpec((_ROWS_PER_BLOCK, _DIM), lambda i: (i, 0))
    spec_b = pl.BlockSpec((_ROWS_PER_BLOCK, _DIM), lambda i: (i + n_blocks, 0))
    out_spec = pl.BlockSpec((_ROWS_PER_BLOCK, _DIM), lambda i: (i, 0))
    return pl.pallas_call(
        _add_block,
        grid=(n_blocks,),
        in_specs=[spec_a, spec_b],
        out_specs=out_spec,
        out_shape=jax.ShapeDtypeStruct((_NUM_NODES, _DIM), jnp.float32),
    )(parts, parts)


def kernel(msg, source, target, num_nodes):
    del source, num_nodes
    n_edges = msg.shape[0]
    zeros = jnp.zeros((_NUM_NODES // 10, _DIM), jnp.float32)
    parts = _make_scatter(n_edges)(msg, target, zeros)
    return _combine(parts)

# --- scband reference (transcript-rebuilt; emitter-appended) ---
"""Pipeline reference for scband-sum-aggregator-68925635166991 (READ-ONLY COPY).

The authoritative reference and input builder live on the scoring server;
editing this copy changes nothing except your own understanding.
"""

import jax, jax.numpy as jnp
import numpy as np


def setup_inputs(seed: int = 0) -> dict:
    key = jax.random.key(seed)
    k_msg, k_src, k_tgt = jax.random.split(key, 3)
    msg = jax.random.normal(k_msg, (320000, 128), dtype=jnp.float32)
    source = jax.random.randint(k_src, (320000,), 0, 10000, dtype=jnp.int64 if jax.config.jax_enable_x64 else jnp.int32).astype(jnp.int32)
    target = jax.random.randint(k_tgt, (320000,), 0, 10000, dtype=jnp.int64 if jax.config.jax_enable_x64 else jnp.int32).astype(jnp.int32)
    num_nodes = 10000
    return {"msg": msg, "source": source, "target": target, "num_nodes": num_nodes}


def reference(msg, source, target, num_nodes):
    # SumAggregator.aggregate_messages:
    # zeros(num_nodes, dim).index_add_(0, target, msg)
    dim = msg.shape[1]
    static_num_nodes = 10000
    out = jnp.zeros((static_num_nodes, dim), dtype=msg.dtype)
    out = out.at[target].add(msg)
    one = (jnp.asarray(num_nodes) + 1 - jnp.asarray(num_nodes)).astype(msg.dtype)
    return out * one

if __name__ == "__main__":
    import jax
    _d = setup_inputs()
    print(jax.jit(kernel)(*tuple(_d.values())))

</pallas_src>

<mosaic_0001>
#map = affine_map<(d0, d1) -> (0, 0)>
#map1 = affine_map<(d0, d1) -> (0)>
module attributes {stable_mosaic.version = 14 : i64} {
  func.func @scatter_kernel(%arg0: i32, %arg1: i32, %arg2: memref<320000x128xf32, #tpu.memory_space<hbm>>, %arg3: memref<320000xi32, #tpu.memory_space<hbm>>, %arg4: memref<1000x128xf32, #tpu.memory_space<hbm>>, %arg5: memref<20000x128xf32, #tpu.memory_space<hbm>>, %arg6: memref<10000x128xf32, #tpu.memory_space<vmem_shared>>, %arg7: memref<40xi32, #tpu.memory_space<vmem>>, %arg8: memref<40xi32, #tpu.memory_space<vmem>>, %arg9: memref<40xi32, #tpu.memory_space<vmem>>, %arg10: memref<40xi32, #tpu.memory_space<vmem>>, %arg11: memref<40xi32, #tpu.memory_space<vmem>>, %arg12: memref<40xi32, #tpu.memory_space<vmem>>, %arg13: memref<40xi32, #tpu.memory_space<vmem>>, %arg14: memref<40xi32, #tpu.memory_space<vmem>>, %arg15: memref<40xi32, #tpu.memory_space<vmem>>, %arg16: memref<40x128xf32, #tpu.memory_space<vmem>>, %arg17: memref<40x128xf32, #tpu.memory_space<vmem>>, %arg18: memref<40x128xf32, #tpu.memory_space<vmem>>, %arg19: memref<40x128xf32, #tpu.memory_space<vmem>>, %arg20: memref<40x128xf32, #tpu.memory_space<vmem>>, %arg21: memref<40x128xf32, #tpu.memory_space<vmem>>, %arg22: memref<40x128xf32, #tpu.memory_space<vmem>>, %arg23: memref<40x128xf32, #tpu.memory_space<vmem>>, %arg24: memref<40x128xf32, #tpu.memory_space<vmem>>, %arg25: memref<!tpu.dma_semaphore, #tpu.memory_space<semaphore_mem>>, %arg26: memref<!tpu.dma_semaphore, #tpu.memory_space<semaphore_mem>>, %arg27: memref<!tpu.dma_semaphore, #tpu.memory_space<semaphore_mem>>, %arg28: memref<!tpu.dma_semaphore, #tpu.memory_space<semaphore_mem>>, %arg29: memref<!tpu.dma_semaphore, #tpu.memory_space<semaphore_mem>>, %arg30: memref<!tpu.dma_semaphore, #tpu.memory_space<semaphore_mem>>, %arg31: memref<!tpu.dma_semaphore, #tpu.memory_space<semaphore_mem>>, %arg32: memref<!tpu.dma_semaphore, #tpu.memory_space<semaphore_mem>>, %arg33: memref<!tpu.dma_semaphore, #tpu.memory_space<semaphore_mem>>, %arg34: memref<!tpu.dma_semaphore, #tpu.memory_space<semaphore_mem>>, %arg35: memref<!tpu.dma_semaphore, #tpu.memory_space<semaphore_mem>>, %arg36: memref<!tpu.dma_semaphore, #tpu.memory_space<semaphore_mem>>, %arg37: memref<!tpu.dma_semaphore, #tpu.memory_space<semaphore_mem>>, %arg38: memref<!tpu.dma_semaphore, #tpu.memory_space<semaphore_mem>>, %arg39: memref<!tpu.dma_semaphore, #tpu.memory_space<semaphore_mem>>, %arg40: memref<!tpu.dma_semaphore, #tpu.memory_space<semaphore_mem>>, %arg41: memref<!tpu.dma_semaphore, #tpu.memory_space<semaphore_mem>>, %arg42: memref<!tpu.dma_semaphore, #tpu.memory_space<semaphore_mem>>) attributes {dimension_semantics = [#tpu.dimension_semantics<core_parallel>, #tpu.dimension_semantics<subcore_parallel>], iteration_bounds = array<i64: 2, 16>, scalar_prefetch = 0 : i64, scratch_operands = 37 : i64, tpu.core_type = #tpu.core_type<sc_vector_subcore>, window_params = [{transform_indices = #map}, {transform_indices = #map1}, {transform_indices = #map}, {transform_indices = #map}]} {
    %mul3A = arith.constant 16 : i32
    %mul3A_0 = arith.muli %arg0, %mul3A : i32
    %add3A = arith.addi %mul3A_0, %arg1 : i32
    %mul3A_1 = arith.constant 10000 : i32
    %mul3A_2 = arith.muli %add3A, %mul3A_1 : i32
    %add3A_3 = arith.constant 0 : i32
    %add3A_4 = arith.addi %mul3A_2, %add3A_3 : i32
    %dma_start3A = tpu.memref_slice %arg3[%add3A_4] : memref<320000xi32, #tpu.memory_space<hbm>> -> memref<40xi32, #tpu.memory_space<hbm>>
    %dma_start3A_5 = tpu.memref_slice %arg3[%add3A_4] : memref<320000xi32, #tpu.memory_space<hbm>> -> memref<40xi32, #tpu.memory_space<hbm>>
    tpu.enqueue_dma source(%dma_start3A_5 : memref<40xi32, #tpu.memory_space<hbm>>) target(%arg7 : memref<40xi32, #tpu.memory_space<vmem>>) target_semaphore(%arg25 : memref<!tpu.dma_semaphore, #tpu.memory_space<semaphore_mem>>)
    %dma_start3A_6 = arith.constant 0 : i32
    %dma_start3A_7 = tpu.memref_slice %arg2[%add3A_4, %dma_start3A_6] : memref<320000x128xf32, #tpu.memory_space<hbm>> -> memref<40x128xf32, #tpu.memory_space<hbm>>
    %dma_start3A_8 = arith.constant 0 : i32
    %dma_start3A_9 = tpu.memref_slice %arg2[%add3A_4, %dma_start3A_8] : memref<320000x128xf32, #tpu.memory_space<hbm>> -> memref<40x128xf32, #tpu.memory_space<hbm>>
    tpu.enqueue_dma source(%dma_start3A_9 : memref<40x128xf32, #tpu.memory_space<hbm>>) target(%arg16 : memref<40x128xf32, #tpu.memory_space<vmem>>) target_semaphore(%arg25 : memref<!tpu.dma_semaphore, #tpu.memory_space<semaphore_mem>>)
    %add3A_10 = arith.constant 40 : i32
    %add3A_11 = arith.addi %mul3A_2, %add3A_10 : i32
    %dma_start3A_12 = tpu.memref_slice %arg3[%add3A_11] : memref<320000xi32, #tpu.memory_space<hbm>> -> memref<40xi32, #tpu.memory_space<hbm>>
    %dma_start3A_13 = tpu.memref_slice %arg3[%add3A_11] : memref<320000xi32, #tpu.memory_space<hbm>> -> memref<40xi32, #tpu.memory_space<hbm>>
    tpu.enqueue_dma source(%dma_start3A_13 : memref<40xi32, #tpu.memory_space<hbm>>) target(%arg8 : memref<40xi32, #tpu.memory_space<vmem>>) target_semaphore(%arg26 : memref<!tpu.dma_semaphore, #tpu.memory_space<semaphore_mem>>)
    %dma_start3A_14 = arith.constant 0 : i32
    %dma_start3A_15 = tpu.memref_slice %arg2[%add3A_11, %dma_start3A_14] : memref<320000x128xf32, #tpu.memory_space<hbm>> -> memref<40x128xf32, #tpu.memory_space<hbm>>
    %dma_start3A_16 = arith.constant 0 : i32
    %dma_start3A_17 = tpu.memref_slice %arg2[%add3A_11, %dma_start3A_16] : memref<320000x128xf32, #tpu.memory_space<hbm>> -> memref<40x128xf32, #tpu.memory_space<hbm>>
    tpu.enqueue_dma source(%dma_start3A_17 : memref<40x128xf32, #tpu.memory_space<hbm>>) target(%arg17 : memref<40x128xf32, #tpu.memory_space<vmem>>) target_semaphore(%arg26 : memref<!tpu.dma_semaphore, #tpu.memory_space<semaphore_mem>>)
    %add3A_18 = arith.constant 80 : i32
    %add3A_19 = arith.addi %mul3A_2, %add3A_18 : i32
    %dma_start3A_20 = tpu.memref_slice %arg3[%add3A_19] : memref<320000xi32, #tpu.memory_space<hbm>> -> memref<40xi32, #tpu.memory_space<hbm>>
    %dma_start3A_21 = tpu.memref_slice %arg3[%add3A_19] : memref<320000xi32, #tpu.memory_space<hbm>> -> memref<40xi32, #tpu.memory_space<hbm>>
    tpu.enqueue_dma source(%dma_start3A_21 : memref<40xi32, #tpu.memory_space<hbm>>) target(%arg9 : memref<40xi32, #tpu.memory_space<vmem>>) target_semaphore(%arg27 : memref<!tpu.dma_semaphore, #tpu.memory_space<semaphore_mem>>)
    %dma_start3A_22 = arith.constant 0 : i32
    %dma_start3A_23 = tpu.memref_slice %arg2[%add3A_19, %dma_start3A_22] : memref<320000x128xf32, #tpu.memory_space<hbm>> -> memref<40x128xf32, #tpu.memory_space<hbm>>
    %dma_start3A_24 = arith.constant 0 : i32
    %dma_start3A_25 = tpu.memref_slice %arg2[%add3A_19, %dma_start3A_24] : memref<320000x128xf32, #tpu.memory_space<hbm>> -> memref<40x128xf32, #tpu.memory_space<hbm>>
    tpu.enqueue_dma source(%dma_start3A_25 : memref<40x128xf32, #tpu.memory_space<hbm>>) target(%arg18 : memref<40x128xf32, #tpu.memory_space<vmem>>) target_semaphore(%arg27 : memref<!tpu.dma_semaphore, #tpu.memory_space<semaphore_mem>>)
    %add3A_26 = arith.constant 120 : i32
    %add3A_27 = arith.addi %mul3A_2, %add3A_26 : i32
    %dma_start3A_28 = tpu.memref_slice %arg3[%add3A_27] : memref<320000xi32, #tpu.memory_space<hbm>> -> memref<40xi32, #tpu.memory_space<hbm>>
    %dma_start3A_29 = tpu.memref_slice %arg3[%add3A_27] : memref<320000xi32, #tpu.memory_space<hbm>> -> memref<40xi32, #tpu.memory_space<hbm>>
    tpu.enqueue_dma source(%dma_start3A_29 : memref<40xi32, #tpu.memory_space<hbm>>) target(%arg10 : memref<40xi32, #tpu.memory_space<vmem>>) target_semaphore(%arg28 : memref<!tpu.dma_semaphore, #tpu.memory_space<semaphore_mem>>)
    %dma_start3A_30 = arith.constant 0 : i32
    %dma_start3A_31 = tpu.memref_slice %arg2[%add3A_27, %dma_start3A_30] : memref<320000x128xf32, #tpu.memory_space<hbm>> -> memref<40x128xf32, #tpu.memory_space<hbm>>
    %dma_start3A_32 = arith.constant 0 : i32
    %dma_start3A_33 = tpu.memref_slice %arg2[%add3A_27, %dma_start3A_32] : memref<320000x128xf32, #tpu.memory_space<hbm>> -> memref<40x128xf32, #tpu.memory_space<hbm>>
    tpu.enqueue_dma source(%dma_start3A_33 : memref<40x128xf32, #tpu.memory_space<hbm>>) target(%arg19 : memref<40x128xf32, #tpu.memory_space<vmem>>) target_semaphore(%arg28 : memref<!tpu.dma_semaphore, #tpu.memory_space<semaphore_mem>>)
    %add3A_34 = arith.constant 160 : i32
    %add3A_35 = arith.addi %mul3A_2, %add3A_34 : i32
    %dma_start3A_36 = tpu.memref_slice %arg3[%add3A_35] : memref<320000xi32, #tpu.memory_space<hbm>> -> memref<40xi32, #tpu.memory_space<hbm>>
    %dma_start3A_37 = tpu.memref_slice %arg3[%add3A_35] : memref<320000xi32, #tpu.memory_space<hbm>> -> memref<40xi32, #tpu.memory_space<hbm>>
    tpu.enqueue_dma source(%dma_start3A_37 : memref<40xi32, #tpu.memory_space<hbm>>) target(%arg11 : memref<40xi32, #tpu.memory_space<vmem>>) target_semaphore(%arg29 : memref<!tpu.dma_semaphore, #tpu.memory_space<semaphore_mem>>)
    %dma_start3A_38 = arith.constant 0 : i32
    %dma_start3A_39 = tpu.memref_slice %arg2[%add3A_35, %dma_start3A_38] : memref<320000x128xf32, #tpu.memory_space<hbm>> -> memref<40x128xf32, #tpu.memory_space<hbm>>
    %dma_start3A_40 = arith.constant 0 : i32
    %dma_start3A_41 = tpu.memref_slice %arg2[%add3A_35, %dma_start3A_40] : memref<320000x128xf32, #tpu.memory_space<hbm>> -> memref<40x128xf32, #tpu.memory_space<hbm>>
    tpu.enqueue_dma source(%dma_start3A_41 : memref<40x128xf32, #tpu.memory_space<hbm>>) target(%arg20 : memref<40x128xf32, #tpu.memory_space<vmem>>) target_semaphore(%arg29 : memref<!tpu.dma_semaphore, #tpu.memory_space<semaphore_mem>>)
    %add3A_42 = arith.constant 200 : i32
    %add3A_43 = arith.addi %mul3A_2, %add3A_42 : i32
    %dma_start3A_44 = tpu.memref_slice %arg3[%add3A_43] : memref<320000xi32, #tpu.memory_space<hbm>> -> memref<40xi32, #tpu.memory_space<hbm>>
    %dma_start3A_45 = tpu.memref_slice %arg3[%add3A_43] : memref<320000xi32, #tpu.memory_space<hbm>> -> memref<40xi32, #tpu.memory_space<hbm>>
    tpu.enqueue_dma source(%dma_start3A_45 : memref<40xi32, #tpu.memory_space<hbm>>) target(%arg12 : memref<40xi32, #tpu.memory_space<vmem>>) target_semaphore(%arg30 : memref<!tpu.dma_semaphore, #tpu.memory_space<semaphore_mem>>)
    %dma_start3A_46 = arith.constant 0 : i32
    %dma_start3A_47 = tpu.memref_slice %arg2[%add3A_43, %dma_start3A_46] : memref<320000x128xf32, #tpu.memory_space<hbm>> -> memref<40x128xf32, #tpu.memory_space<hbm>>
    %dma_start3A_48 = arith.constant 0 : i32
    %dma_start3A_49 = tpu.memref_slice %arg2[%add3A_43, %dma_start3A_48] : memref<320000x128xf32, #tpu.memory_space<hbm>> -> memref<40x128xf32, #tpu.memory_space<hbm>>
    tpu.enqueue_dma source(%dma_start3A_49 : memref<40x128xf32, #tpu.memory_space<hbm>>) target(%arg21 : memref<40x128xf32, #tpu.memory_space<vmem>>) target_semaphore(%arg30 : memref<!tpu.dma_semaphore, #tpu.memory_space<semaphore_mem>>)
    %add3A_50 = arith.constant 240 : i32
    %add3A_51 = arith.addi %mul3A_2, %add3A_50 : i32
    %dma_start3A_52 = tpu.memref_slice %arg3[%add3A_51] : memref<320000xi32, #tpu.memory_space<hbm>> -> memref<40xi32, #tpu.memory_space<hbm>>
    %dma_start3A_53 = tpu.memref_slice %arg3[%add3A_51] : memref<320000xi32, #tpu.memory_space<hbm>> -> memref<40xi32, #tpu.memory_space<hbm>>
    tpu.enqueue_dma source(%dma_start3A_53 : memref<40xi32, #tpu.memory_space<hbm>>) target(%arg13 : memref<40xi32, #tpu.memory_space<vmem>>) target_semaphore(%arg31 : memref<!tpu.dma_semaphore, #tpu.memory_space<semaphore_mem>>)
    %dma_start3A_54 = arith.constant 0 : i32
    %dma_start3A_55 = tpu.memref_slice %arg2[%add3A_51, %dma_start3A_54] : memref<320000x128xf32, #tpu.memory_space<hbm>> -> memref<40x128xf32, #tpu.memory_space<hbm>>
    %dma_start3A_56 = arith.constant 0 : i32
    %dma_start3A_57 = tpu.memref_slice %arg2[%add3A_51, %dma_start3A_56] : memref<320000x128xf32, #tpu.memory_space<hbm>> -> memref<40x128xf32, #tpu.memory_space<hbm>>
    tpu.enqueue_dma source(%dma_start3A_57 : memref<40x128xf32, #tpu.memory_space<hbm>>) target(%arg22 : memref<40x128xf32, #tpu.memory_space<vmem>>) target_semaphore(%arg31 : memref<!tpu.dma_semaphore, #tpu.memory_space<semaphore_mem>>)
    %lt3A = arith.constant 10 : i32
    %lt3A_58 = arith.cmpi slt, %arg1, %lt3A : i32
    %convert_element_type3A = arith.extui %lt3A_58 : i1 to i32
    %cond3A = arith.constant 0 : i32
    %cond3A_59 = arith.cmpi ne, %convert_element_type3A, %cond3A : i32
    scf.if %cond3A_59 {
      %mul3A_97 = arith.constant 1000 : i32
      %mul3A_98 = arith.muli %arg1, %mul3A_97 : i32
      "tpu.region"() ({
        %run_scoped3A = tpu.sem_alloc : memref<!tpu.dma_semaphore, #tpu.memory_space<semaphore_mem>>
        %dma_start3A_99 = arith.constant 0 : i32
        %dma_start3A_100 = tpu.memref_slice %arg6[%mul3A_98, %dma_start3A_99] : memref<10000x128xf32, #tpu.memory_space<vmem_shared>> -> memref<1000x128xf32, #tpu.memory_space<vmem_shared>>
        tpu.enqueue_dma source(%arg4 : memref<1000x128xf32, #tpu.memory_space<hbm>>) target(%dma_start3A_100 : memref<1000x128xf32, #tpu.memory_space<vmem_shared>>) target_semaphore(%run_scoped3A : memref<!tpu.dma_semaphore, #tpu.memory_space<semaphore_mem>>)
        %dma_wait3A_101 = arith.constant 0 : i32
        %dma_wait3A_102 = tpu.memref_slice %arg6[%mul3A_98, %dma_wait3A_101] : memref<10000x128xf32, #tpu.memory_space<vmem_shared>> -> memref<1000x128xf32, #tpu.memory_space<vmem_shared>>
        tpu.wait_dma2 semaphore(%run_scoped3A : memref<!tpu.dma_semaphore, #tpu.memory_space<semaphore_mem>>) src(%arg4 : memref<1000x128xf32, #tpu.memory_space<hbm>>) dst(%dma_wait3A_102 : memref<1000x128xf32, #tpu.memory_space<vmem_shared>>)
        tpu.yield
      }) : () -> ()
    } else {
    }
    %barrier3A = arith.constant 0 : index
    tpu.barrier barrier_id(%barrier3A)
    %scan3A = arith.constant 0 : i32
    %scan3A_60 = arith.constant 0 : i32
    %scan3A_61 = arith.constant 28 : i32
    %scan3A_62 = arith.addi %scan3A_60, %scan3A_61 : i32
    %scan3A_63 = arith.constant 1 : i32
    scf.for %scan3A_97 = %scan3A_60 to %scan3A_62 step %scan3A_63  : i32 {
      %mul3A_98 = arith.constant 9 : i32
      %mul3A_99 = arith.muli %mul3A_98, %scan3A_97 : i32
      %add3A_100 = arith.constant 0 : i32
      %add3A_101 = arith.addi %mul3A_99, %add3A_100 : i32
      %lt3A_102 = arith.constant 250 : i32
      %lt3A_103 = arith.cmpi slt, %add3A_101, %lt3A_102 : i32
      %convert_element_type3A_104 = arith.extui %lt3A_103 : i1 to i32
      %cond3A_105 = arith.constant 0 : i32
      %cond3A_106 = arith.cmpi ne, %convert_element_type3A_104, %cond3A_105 : i32
      scf.if %cond3A_106 {
        %dma_wait3A_341 = tpu.memref_slice %arg3[%mul3A_2] : memref<320000xi32, #tpu.memory_space<hbm>> -> memref<40xi32, #tpu.memory_space<hbm>>
        %dma_wait3A_342 = tpu.memref_slice %arg3[%mul3A_2] : memref<320000xi32, #tpu.memory_space<hbm>> -> memref<40xi32, #tpu.memory_space<hbm>>
        tpu.wait_dma2 semaphore(%arg25 : memref<!tpu.dma_semaphore, #tpu.memory_space<semaphore_mem>>) src(%dma_wait3A_342 : memref<40xi32, #tpu.memory_space<hbm>>) dst(%arg7 : memref<40xi32, #tpu.memory_space<vmem>>)
        %dma_wait3A_343 = arith.constant 0 : i32
        %dma_wait3A_344 = tpu.memref_slice %arg2[%mul3A_2, %dma_wait3A_343] : memref<320000x128xf32, #tpu.memory_space<hbm>> -> memref<40x128xf32, #tpu.memory_space<hbm>>
        %dma_wait3A_345 = arith.constant 0 : i32
        %dma_wait3A_346 = tpu.memref_slice %arg2[%mul3A_2, %dma_wait3A_345] : memref<320000x128xf32, #tpu.memory_space<hbm>> -> memref<40x128xf32, #tpu.memory_space<hbm>>
        tpu.wait_dma2 semaphore(%arg25 : memref<!tpu.dma_semaphore, #tpu.memory_space<semaphore_mem>>) src(%dma_wait3A_346 : memref<40x128xf32, #tpu.memory_space<hbm>>) dst(%arg16 : memref<40x128xf32, #tpu.memory_space<vmem>>)
        %dma_start3A_347 = arith.constant 0 : i32
        %dma_start3A_348 = arith.constant 0 : i32
        %dma_start3A_349 = tpu.memref_slice %arg6[%dma_start3A_347, %dma_start3A_348] : memref<10000x128xf32, #tpu.memory_space<vmem_shared>> -> memref<10000x128xf32, #tpu.memory_space<vmem_shared>>
        tpu.enqueue_indirect_dma source(%arg16 : memref<40x128xf32, #tpu.memory_space<vmem>>) target(%dma_start3A_349 : memref<10000x128xf32, #tpu.memory_space<vmem_shared>>) offsets(%arg7 : memref<40xi32, #tpu.memory_space<vmem>>) semaphore(%arg34 : memref<!tpu.dma_semaphore, #tpu.memory_space<semaphore_mem>>) {add = true}
      } else {
      }
      %add3A_107 = arith.constant 7 : i32
      %add3A_108 = arith.addi %add3A_101, %add3A_107 : i32
      %lt3A_109 = arith.constant 250 : i32
      %lt3A_110 = arith.cmpi slt, %add3A_108, %lt3A_109 : i32
      %ge3A = arith.constant 2 : i32
      %ge3A_111 = arith.cmpi sge, %add3A_101, %ge3A : i32
      %and3A = arith.andi %lt3A_110, %ge3A_111 : i1
      %convert_element_type3A_112 = arith.extui %and3A : i1 to i32
      %cond3A_113 = arith.constant 0 : i32
      %cond3A_114 = arith.cmpi ne, %convert_element_type3A_112, %cond3A_113 : i32
      scf.if %cond3A_114 {
        %dma_wait3A_341 = arith.constant 0 : i32
        %dma_wait3A_342 = arith.constant 0 : i32
        %dma_wait3A_343 = tpu.memref_slice %arg6[%dma_wait3A_341, %dma_wait3A_342] : memref<10000x128xf32, #tpu.memory_space<vmem_shared>> -> memref<10000x128xf32, #tpu.memory_space<vmem_shared>>
        tpu.wait_indirect_dma semaphore(%arg41 : memref<!tpu.dma_semaphore, #tpu.memory_space<semaphore_mem>>) src(%arg23 : memref<40x128xf32, #tpu.memory_space<vmem>>) dst(%dma_wait3A_343 : memref<10000x128xf32, #tpu.memory_space<vmem_shared>>)
        %add3A_344 = arith.constant 7 : i32
        %add3A_345 = arith.addi %add3A_101, %add3A_344 : i32
        %mul3A_346 = arith.constant 40 : i32
        %mul3A_347 = arith.muli %add3A_345, %mul3A_346 : i32
        %add3A_348 = arith.addi %mul3A_2, %mul3A_347 : i32
        %dma_start3A_349 = tpu.memref_slice %arg3[%add3A_348] : memref<320000xi32, #tpu.memory_space<hbm>> -> memref<40xi32, #tpu.memory_space<hbm>>
        %dma_start3A_350 = tpu.memref_slice %arg3[%add3A_348] : memref<320000xi32, #tpu.memory_space<hbm>> -> memref<40xi32, #tpu.memory_space<hbm>>
        tpu.enqueue_dma source(%dma_start3A_350 : memref<40xi32, #tpu.memory_space<hbm>>) target(%arg14 : memref<40xi32, #tpu.memory_space<vmem>>) target_semaphore(%arg32 : memref<!tpu.dma_semaphore, #tpu.memory_space<semaphore_mem>>)
        %dma_start3A_351 = arith.constant 0 : i32
        %dma_start3A_352 = tpu.memref_slice %arg2[%add3A_348, %dma_start3A_351] : memref<320000x128xf32, #tpu.memory_space<hbm>> -> memref<40x128xf32, #tpu.memory_space<hbm>>
        %dma_start3A_353 = arith.constant 0 : i32
        %dma_start3A_354 = tpu.memref_slice %arg2[%add3A_348, %dma_start3A_353] : memref<320000x128xf32, #tpu.memory_space<hbm>> -> memref<40x128xf32, #tpu.memory_space<hbm>>
        tpu.enqueue_dma source(%dma_start3A_354 : memref<40x128xf32, #tpu.memory_space<hbm>>) target(%arg23 : memref<40x128xf32, #tpu.memory_space<vmem>>) target_semaphore(%arg32 : memref<!tpu.dma_semaphore, #tpu.memory_space<semaphore_mem>>)
      } else {
      }
      %add3A_115 = arith.constant 7 : i32
      %add3A_116 = arith.addi %add3A_101, %add3A_115 : i32
      %lt3A_117 = arith.constant 250 : i32
      %lt3A_118 = arith.cmpi slt, %add3A_116, %lt3A_117 : i32
      %lt3A_119 = arith.constant 2 : i32
      %lt3A_120 = arith.cmpi slt, %add3A_101, %lt3A_119 : i32
      %and3A_121 = arith.andi %lt3A_118, %lt3A_120 : i1
      %convert_element_type3A_122 = arith.extui %and3A_121 : i1 to i32
      %cond3A_123 = arith.constant 0 : i32
      %cond3A_124 = arith.cmpi ne, %convert_element_type3A_122, %cond3A_123 : i32
      scf.if %cond3A_124 {
        %add3A_341 = arith.constant 7 : i32
        %add3A_342 = arith.addi %add3A_101, %add3A_341 : i32
        %mul3A_343 = arith.constant 40 : i32
        %mul3A_344 = arith.muli %add3A_342, %mul3A_343 : i32
        %add3A_345 = arith.addi %mul3A_2, %mul3A_344 : i32
        %dma_start3A_346 = tpu.memref_slice %arg3[%add3A_345] : memref<320000xi32, #tpu.memory_space<hbm>> -> memref<40xi32, #tpu.memory_space<hbm>>
        %dma_start3A_347 = tpu.memref_slice %arg3[%add3A_345] : memref<320000xi32, #tpu.memory_space<hbm>> -> memref<40xi32, #tpu.memory_space<hbm>>
        tpu.enqueue_dma source(%dma_start3A_347 : memref<40xi32, #tpu.memory_space<hbm>>) target(%arg14 : memref<40xi32, #tpu.memory_space<vmem>>) target_semaphore(%arg32 : memref<!tpu.dma_semaphore, #tpu.memory_space<semaphore_mem>>)
        %dma_start3A_348 = arith.constant 0 : i32
        %dma_start3A_349 = tpu.memref_slice %arg2[%add3A_345, %dma_start3A_348] : memref<320000x128xf32, #tpu.memory_space<hbm>> -> memref<40x128xf32, #tpu.memory_space<hbm>>
        %dma_start3A_350 = arith.constant 0 : i32
        %dma_start3A_351 = tpu.memref_slice %arg2[%add3A_345, %dma_start3A_350] : memref<320000x128xf32, #tpu.memory_space<hbm>> -> memref<40x128xf32, #tpu.memory_space<hbm>>
        tpu.enqueue_dma source(%dma_start3A_351 : memref<40x128xf32, #tpu.memory_space<hbm>>) target(%arg23 : memref<40x128xf32, #tpu.memory_space<vmem>>) target_semaphore(%arg32 : memref<!tpu.dma_semaphore, #tpu.memory_space<semaphore_mem>>)
      } else {
      }
      %add3A_125 = arith.constant 1 : i32
      %add3A_126 = arith.addi %mul3A_99, %add3A_125 : i32
      %lt3A_127 = arith.constant 250 : i32
      %lt3A_128 = arith.cmpi slt, %add3A_126, %lt3A_127 : i32
      %convert_element_type3A_129 = arith.extui %lt3A_128 : i1 to i32
      %cond3A_130 = arith.constant 0 : i32
      %cond3A_131 = arith.cmpi ne, %convert_element_type3A_129, %cond3A_130 : i32
      scf.if %cond3A_131 {
        %dma_wait3A_341 = tpu.memref_slice %arg3[%mul3A_2] : memref<320000xi32, #tpu.memory_space<hbm>> -> memref<40xi32, #tpu.memory_space<hbm>>
        %dma_wait3A_342 = tpu.memref_slice %arg3[%mul3A_2] : memref<320000xi32, #tpu.memory_space<hbm>> -> memref<40xi32, #tpu.memory_space<hbm>>
        tpu.wait_dma2 semaphore(%arg26 : memref<!tpu.dma_semaphore, #tpu.memory_space<semaphore_mem>>) src(%dma_wait3A_342 : memref<40xi32, #tpu.memory_space<hbm>>) dst(%arg8 : memref<40xi32, #tpu.memory_space<vmem>>)
        %dma_wait3A_343 = arith.constant 0 : i32
        %dma_wait3A_344 = tpu.memref_slice %arg2[%mul3A_2, %dma_wait3A_343] : memref<320000x128xf32, #tpu.memory_space<hbm>> -> memref<40x128xf32, #tpu.memory_space<hbm>>
        %dma_wait3A_345 = arith.constant 0 : i32
        %dma_wait3A_346 = tpu.memref_slice %arg2[%mul3A_2, %dma_wait3A_345] : memref<320000x128xf32, #tpu.memory_space<hbm>> -> memref<40x128xf32, #tpu.memory_space<hbm>>
        tpu.wait_dma2 semaphore(%arg26 : memref<!tpu.dma_semaphore, #tpu.memory_space<semaphore_mem>>) src(%dma_wait3A_346 : memref<40x128xf32, #tpu.memory_space<hbm>>) dst(%arg17 : memref<40x128xf32, #tpu.memory_space<vmem>>)
        %dma_start3A_347 = arith.constant 0 : i32
        %dma_start3A_348 = arith.constant 0 : i32
        %dma_start3A_349 = tpu.memref_slice %arg6[%dma_start3A_347, %dma_start3A_348] : memref<10000x128xf32, #tpu.memory_space<vmem_shared>> -> memref<10000x128xf32, #tpu.memory_space<vmem_shared>>
        tpu.enqueue_indirect_dma source(%arg17 : memref<40x128xf32, #tpu.memory_space<vmem>>) target(%dma_start3A_349 : memref<10000x128xf32, #tpu.memory_space<vmem_shared>>) offsets(%arg8 : memref<40xi32, #tpu.memory_space<vmem>>) semaphore(%arg35 : memref<!tpu.dma_semaphore, #tpu.memory_space<semaphore_mem>>) {add = true}
      } else {
      }
      %add3A_132 = arith.constant 7 : i32
      %add3A_133 = arith.addi %add3A_126, %add3A_132 : i32
      %lt3A_134 = arith.constant 250 : i32
      %lt3A_135 = arith.cmpi slt, %add3A_133, %lt3A_134 : i32
      %ge3A_136 = arith.constant 2 : i32
      %ge3A_137 = arith.cmpi sge, %add3A_126, %ge3A_136 : i32
      %and3A_138 = arith.andi %lt3A_135, %ge3A_137 : i1
      %convert_element_type3A_139 = arith.extui %and3A_138 : i1 to i32
      %cond3A_140 = arith.constant 0 : i32
      %cond3A_141 = arith.cmpi ne, %convert_element_type3A_139, %cond3A_140 : i32
      scf.if %cond3A_141 {
        %dma_wait3A_341 = arith.constant 0 : i32
        %dma_wait3A_342 = arith.constant 0 : i32
        %dma_wait3A_343 = tpu.memref_slice %arg6[%dma_wait3A_341, %dma_wait3A_342] : memref<10000x128xf32, #tpu.memory_space<vmem_shared>> -> memref<10000x128xf32, #tpu.memory_space<vmem_shared>>
        tpu.wait_indirect_dma semaphore(%arg42 : memref<!tpu.dma_semaphore, #tpu.memory_space<semaphore_mem>>) src(%arg24 : memref<40x128xf32, #tpu.memory_space<vmem>>) dst(%dma_wait3A_343 : memref<10000x128xf32, #tpu.memory_space<vmem_shared>>)
        %add3A_344 = arith.constant 7 : i32
        %add3A_345 = arith.addi %add3A_126, %add3A_344 : i32
        %mul3A_346 = arith.constant 40 : i32
        %mul3A_347 = arith.muli %add3A_345, %mul3A_346 : i32
        %add3A_348 = arith.addi %mul3A_2, %mul3A_347 : i32
        %dma_start3A_349 = tpu.memref_slice %arg3[%add3A_348] : memref<320000xi32, #tpu.memory_space<hbm>> -> memref<40xi32, #tpu.memory_space<hbm>>
        %dma_start3A_350 = tpu.memref_slice %arg3[%add3A_348] : memref<320000xi32, #tpu.memory_space<hbm>> -> memref<40xi32, #tpu.memory_space<hbm>>
        tpu.enqueue_dma source(%dma_start3A_350 : memref<40xi32, #tpu.memory_space<hbm>>) target(%arg15 : memref<40xi32, #tpu.memory_space<vmem>>) target_semaphore(%arg33 : memref<!tpu.dma_semaphore, #tpu.memory_space<semaphore_mem>>)
        %dma_start3A_351 = arith.constant 0 : i32
        %dma_start3A_352 = tpu.memref_slice %arg2[%add3A_348, %dma_start3A_351] : memref<320000x128xf32, #tpu.memory_space<hbm>> -> memref<40x128xf32, #tpu.memory_space<hbm>>
        %dma_start3A_353 = arith.constant 0 : i32
        %dma_start3A_354 = tpu.memref_slice %arg2[%add3A_348, %dma_start3A_353] : memref<320000x128xf32, #tpu.memory_space<hbm>> -> memref<40x128xf32, #tpu.memory_space<hbm>>
        tpu.enqueue_dma source(%dma_start3A_354 : memref<40x128xf32, #tpu.memory_space<hbm>>) target(%arg24 : memref<40x128xf32, #tpu.memory_space<vmem>>) target_semaphore(%arg33 : memref<!tpu.dma_semaphore, #tpu.memory_space<semaphore_mem>>)
      } else {
      }
      %add3A_142 = arith.constant 7 : i32
      %add3A_143 = arith.addi %add3A_126, %add3A_142 : i32
      %lt3A_144 = arith.constant 250 : i32
      %lt3A_145 = arith.cmpi slt, %add3A_143, %lt3A_144 : i32
      %lt3A_146 = arith.constant 2 : i32
      %lt3A_147 = arith.cmpi slt, %add3A_126, %lt3A_146 : i32
      %and3A_148 = arith.andi %lt3A_145, %lt3A_147 : i1
      %convert_element_type3A_149 = arith.extui %and3A_148 : i1 to i32
      %cond3A_150 = arith.constant 0 : i32
      %cond3A_151 = arith.cmpi ne, %convert_element_type3A_149, %cond3A_150 : i32
      scf.if %cond3A_151 {
        %add3A_341 = arith.constant 7 : i32
        %add3A_342 = arith.addi %add3A_126, %add3A_341 : i32
        %mul3A_343 = arith.constant 40 : i32
        %mul3A_344 = arith.muli %add3A_342, %mul3A_343 : i32
        %add3A_345 = arith.addi %mul3A_2, %mul3A_344 : i32
        %dma_start3A_346 = tpu.memref_slice %arg3[%add3A_345] : memref<320000xi32, #tpu.memory_space<hbm>> -> memref<40xi32, #tpu.memory_space<hbm>>
        %dma_start3A_347 = tpu.memref_slice %arg3[%add3A_345] : memref<320000xi32, #tpu.memory_space<hbm>> -> memref<40xi32, #tpu.memory_space<hbm>>
        tpu.enqueue_dma source(%dma_start3A_347 : memref<40xi32, #tpu.memory_space<hbm>>) target(%arg15 : memref<40xi32, #tpu.memory_space<vmem>>) target_semaphore(%arg33 : memref<!tpu.dma_semaphore, #tpu.memory_space<semaphore_mem>>)
        %dma_start3A_348 = arith.constant 0 : i32
        %dma_start3A_349 = tpu.memref_slice %arg2[%add3A_345, %dma_start3A_348] : memref<320000x128xf32, #tpu.memory_space<hbm>> -> memref<40x128xf32, #tpu.memory_space<hbm>>
        %dma_start3A_350 = arith.constant 0 : i32
        %dma_start3A_351 = tpu.memref_slice %arg2[%add3A_345, %dma_start3A_350] : memref<320000x128xf32, #tpu.memory_space<hbm>> -> memref<40x128xf32, #tpu.memory_space<hbm>>
        tpu.enqueue_dma source(%dma_start3A_351 : memref<40x128xf32, #tpu.memory_space<hbm>>) target(%arg24 : memref<40x128xf32, #tpu.memory_space<vmem>>) target_semaphore(%arg33 : memref<!tpu.dma_semaphore, #tpu.memory_space<semaphore_mem>>)
      } else {
      }
      %add3A_152 = arith.constant 2 : i32
      %add3A_153 = arith.addi %mul3A_99, %add3A_152 : i32
      %lt3A_154 = arith.constant 250 : i32
      %lt3A_155 = arith.cmpi slt, %add3A_153, %lt3A_154 : i32
      %convert_element_type3A_156 = arith.extui %lt3A_155 : i1 to i32
      %cond3A_157 = arith.constant 0 : i32
      %cond3A_158 = arith.cmpi ne, %convert_element_type3A_156, %cond3A_157 : i32
      scf.if %cond3A_158 {
        %dma_wait3A_341 = tpu.memref_slice %arg3[%mul3A_2] : memref<320000xi32, #tpu.memory_space<hbm>> -> memref<40xi32, #tpu.memory_space<hbm>>
        %dma_wait3A_342 = tpu.memref_slice %arg3[%mul3A_2] : memref<320000xi32, #tpu.memory_space<hbm>> -> memref<40xi32, #tpu.memory_space<hbm>>
        tpu.wait_dma2 semaphore(%arg27 : memref<!tpu.dma_semaphore, #tpu.memory_space<semaphore_mem>>) src(%dma_wait3A_342 : memref<40xi32, #tpu.memory_space<hbm>>) dst(%arg9 : memref<40xi32, #tpu.memory_space<vmem>>)
        %dma_wait3A_343 = arith.constant 0 : i32
        %dma_wait3A_344 = tpu.memref_slice %arg2[%mul3A_2, %dma_wait3A_343] : memref<320000x128xf32, #tpu.memory_space<hbm>> -> memref<40x128xf32, #tpu.memory_space<hbm>>
        %dma_wait3A_345 = arith.constant 0 : i32
        %dma_wait3A_346 = tpu.memref_slice %arg2[%mul3A_2, %dma_wait3A_345] : memref<320000x128xf32, #tpu.memory_space<hbm>> -> memref<40x128xf32, #tpu.memory_space<hbm>>
        tpu.wait_dma2 semaphore(%arg27 : memref<!tpu.dma_semaphore, #tpu.memory_space<semaphore_mem>>) src(%dma_wait3A_346 : memref<40x128xf32, #tpu.memory_space<hbm>>) dst(%arg18 : memref<40x128xf32, #tpu.memory_space<vmem>>)
        %dma_start3A_347 = arith.constant 0 : i32
        %dma_start3A_348 = arith.constant 0 : i32
        %dma_start3A_349 = tpu.memref_slice %arg6[%dma_start3A_347, %dma_start3A_348] : memref<10000x128xf32, #tpu.memory_space<vmem_shared>> -> memref<10000x128xf32, #tpu.memory_space<vmem_shared>>
        tpu.enqueue_indirect_dma source(%arg18 : memref<40x128xf32, #tpu.memory_space<vmem>>) target(%dma_start3A_349 : memref<10000x128xf32, #tpu.memory_space<vmem_shared>>) offsets(%arg9 : memref<40xi32, #tpu.memory_space<vmem>>) semaphore(%arg36 : memref<!tpu.dma_semaphore, #tpu.memory_space<semaphore_mem>>) {add = true}
      } else {
      }
      %add3A_159 = arith.constant 7 : i32
      %add3A_160 = arith.addi %add3A_153, %add3A_159 : i32
      %lt3A_161 = arith.constant 250 : i32
      %lt3A_162 = arith.cmpi slt, %add3A_160, %lt3A_161 : i32
      %ge3A_163 = arith.constant 2 : i32
      %ge3A_164 = arith.cmpi sge, %add3A_153, %ge3A_163 : i32
      %and3A_165 = arith.andi %lt3A_162, %ge3A_164 : i1
      %convert_element_type3A_166 = arith.extui %and3A_165 : i1 to i32
      %cond3A_167 = arith.constant 0 : i32
      %cond3A_168 = arith.cmpi ne, %convert_element_type3A_166, %cond3A_167 : i32
      scf.if %cond3A_168 {
        %dma_wait3A_341 = arith.constant 0 : i32
        %dma_wait3A_342 = arith.constant 0 : i32
        %dma_wait3A_343 = tpu.memref_slice %arg6[%dma_wait3A_341, %dma_wait3A_342] : memref<10000x128xf32, #tpu.memory_space<vmem_shared>> -> memref<10000x128xf32, #tpu.memory_space<vmem_shared>>
        tpu.wait_indirect_dma semaphore(%arg34 : memref<!tpu.dma_semaphore, #tpu.memory_space<semaphore_mem>>) src(%arg16 : memref<40x128xf32, #tpu.memory_space<vmem>>) dst(%dma_wait3A_343 : memref<10000x128xf32, #tpu.memory_space<vmem_shared>>)
        %add3A_344 = arith.constant 7 : i32
        %add3A_345 = arith.addi %add3A_153, %add3A_344 : i32
        %mul3A_346 = arith.constant 40 : i32
        %mul3A_347 = arith.muli %add3A_345, %mul3A_346 : i32
        %add3A_348 = arith.addi %mul3A_2, %mul3A_347 : i32
        %dma_start3A_349 = tpu.memref_slice %arg3[%add3A_348] : memref<320000xi32, #tpu.memory_space<hbm>> -> memref<40xi32, #tpu.memory_space<hbm>>
        %dma_start3A_350 = tpu.memref_slice %arg3[%add3A_348] : memref<320000xi32, #tpu.memory_space<hbm>> -> memref<40xi32, #tpu.memory_space<hbm>>
        tpu.enqueue_dma source(%dma_start3A_350 : memref<40xi32, #tpu.memory_space<hbm>>) target(%arg7 : memref<40xi32, #tpu.memory_space<vmem>>) target_semaphore(%arg25 : memref<!tpu.dma_semaphore, #tpu.memory_space<semaphore_mem>>)
        %dma_start3A_351 = arith.constant 0 : i32
        %dma_start3A_352 = tpu.memref_slice %arg2[%add3A_348, %dma_start3A_351] : memref<320000x128xf32, #tpu.memory_space<hbm>> -> memref<40x128xf32, #tpu.memory_space<hbm>>
        %dma_start3A_353 = arith.constant 0 : i32
        %dma_start3A_354 = tpu.memref_slice %arg2[%add3A_348, %dma_start3A_353] : memref<320000x128xf32, #tpu.memory_space<hbm>> -> memref<40x128xf32, #tpu.memory_space<hbm>>
        tpu.enqueue_dma source(%dma_start3A_354 : memref<40x128xf32, #tpu.memory_space<hbm>>) target(%arg16 : memref<40x128xf32, #tpu.memory_space<vmem>>) target_semaphore(%arg25 : memref<!tpu.dma_semaphore, #tpu.memory_space<semaphore_mem>>)
      } else {
      }
      %add3A_169 = arith.constant 7 : i32
      %add3A_170 = arith.addi %add3A_153, %add3A_169 : i32
      %lt3A_171 = arith.constant 250 : i32
      %lt3A_172 = arith.cmpi slt, %add3A_170, %lt3A_171 : i32
      %lt3A_173 = arith.constant 2 : i32
      %lt3A_174 = arith.cmpi slt, %add3A_153, %lt3A_173 : i32
      %and3A_175 = arith.andi %lt3A_172, %lt3A_174 : i1
      %convert_element_type3A_176 = arith.extui %and3A_175 : i1 to i32
      %cond3A_177 = arith.constant 0 : i32
      %cond3A_178 = arith.cmpi ne, %convert_element_type3A_176, %cond3A_177 : i32
      scf.if %cond3A_178 {
        %add3A_341 = arith.constant 7 : i32
        %add3A_342 = arith.addi %add3A_153, %add3A_341 : i32
        %mul3A_343 = arith.constant 40 : i32
        %mul3A_344 = arith.muli %add3A_342, %mul3A_343 : i32
        %add3A_345 = arith.addi %mul3A_2, %mul3A_344 : i32
        %dma_start3A_346 = tpu.memref_slice %arg3[%add3A_345] : memref<320000xi32, #tpu.memory_space<hbm>> -> memref<40xi32, #tpu.memory_space<hbm>>
        %dma_start3A_347 = tpu.memref_slice %arg3[%add3A_345] : memref<320000xi32, #tpu.memory_space<hbm>> -> memref<40xi32, #tpu.memory_space<hbm>>
        tpu.enqueue_dma source(%dma_start3A_347 : memref<40xi32, #tpu.memory_space<hbm>>) target(%arg7 : memref<40xi32, #tpu.memory_space<vmem>>) target_semaphore(%arg25 : memref<!tpu.dma_semaphore, #tpu.memory_space<semaphore_mem>>)
        %dma_start3A_348 = arith.constant 0 : i32
        %dma_start3A_349 = tpu.memref_slice %arg2[%add3A_345, %dma_start3A_348] : memref<320000x128xf32, #tpu.memory_space<hbm>> -> memref<40x128xf32, #tpu.memory_space<hbm>>
        %dma_start3A_350 = arith.constant 0 : i32
        %dma_start3A_351 = tpu.memref_slice %arg2[%add3A_345, %dma_start3A_350] : memref<320000x128xf32, #tpu.memory_space<hbm>> -> memref<40x128xf32, #tpu.memory_space<hbm>>
        tpu.enqueue_dma source(%dma_start3A_351 : memref<40x128xf32, #tpu.memory_space<hbm>>) target(%arg16 : memref<40x128xf32, #tpu.memory_space<vmem>>) target_semaphore(%arg25 : memref<!tpu.dma_semaphore, #tpu.memory_space<semaphore_mem>>)
      } else {
      }
      %add3A_179 = arith.constant 3 : i32
      %add3A_180 = arith.addi %mul3A_99, %add3A_179 : i32
      %lt3A_181 = arith.constant 250 : i32
      %lt3A_182 = arith.cmpi slt, %add3A_180, %lt3A_181 : i32
      %convert_element_type3A_183 = arith.extui %lt3A_182 : i1 to i32
      %cond3A_184 = arith.constant 0 : i32
      %cond3A_185 = arith.cmpi ne, %convert_element_type3A_183, %cond3A_184 : i32
      scf.if %cond3A_185 {
        %dma_wait3A_341 = tpu.memref_slice %arg3[%mul3A_2] : memref<320000xi32, #tpu.memory_space<hbm>> -> memref<40xi32, #tpu.memory_space<hbm>>
        %dma_wait3A_342 = tpu.memref_slice %arg3[%mul3A_2] : memref<320000xi32, #tpu.memory_space<hbm>> -> memref<40xi32, #tpu.memory_space<hbm>>
        tpu.wait_dma2 semaphore(%arg28 : memref<!tpu.dma_semaphore, #tpu.memory_space<semaphore_mem>>) src(%dma_wait3A_342 : memref<40xi32, #tpu.memory_space<hbm>>) dst(%arg10 : memref<40xi32, #tpu.memory_space<vmem>>)
        %dma_wait3A_343 = arith.constant 0 : i32
        %dma_wait3A_344 = tpu.memref_slice %arg2[%mul3A_2, %dma_wait3A_343] : memref<320000x128xf32, #tpu.memory_space<hbm>> -> memref<40x128xf32, #tpu.memory_space<hbm>>
        %dma_wait3A_345 = arith.constant 0 : i32
        %dma_wait3A_346 = tpu.memref_slice %arg2[%mul3A_2, %dma_wait3A_345] : memref<320000x128xf32, #tpu.memory_space<hbm>> -> memref<40x128xf32, #tpu.memory_space<hbm>>
        tpu.wait_dma2 semaphore(%arg28 : memref<!tpu.dma_semaphore, #tpu.memory_space<semaphore_mem>>) src(%dma_wait3A_346 : memref<40x128xf32, #tpu.memory_space<hbm>>) dst(%arg19 : memref<40x128xf32, #tpu.memory_space<vmem>>)
        %dma_start3A_347 = arith.constant 0 : i32
        %dma_start3A_348 = arith.constant 0 : i32
        %dma_start3A_349 = tpu.memref_slice %arg6[%dma_start3A_347, %dma_start3A_348] : memref<10000x128xf32, #tpu.memory_space<vmem_shared>> -> memref<10000x128xf32, #tpu.memory_space<vmem_shared>>
        tpu.enqueue_indirect_dma source(%arg19 : memref<40x128xf32, #tpu.memory_space<vmem>>) target(%dma_start3A_349 : memref<10000x128xf32, #tpu.memory_space<vmem_shared>>) offsets(%arg10 : memref<40xi32, #tpu.memory_space<vmem>>) semaphore(%arg37 : memref<!tpu.dma_semaphore, #tpu.memory_space<semaphore_mem>>) {add = true}
      } else {
      }
      %add3A_186 = arith.constant 7 : i32
      %add3A_187 = arith.addi %add3A_180, %add3A_186 : i32
      %lt3A_188 = arith.constant 250 : i32
      %lt3A_189 = arith.cmpi slt, %add3A_187, %lt3A_188 : i32
      %ge3A_190 = arith.constant 2 : i32
      %ge3A_191 = arith.cmpi sge, %add3A_180, %ge3A_190 : i32
      %and3A_192 = arith.andi %lt3A_189, %ge3A_191 : i1
      %convert_element_type3A_193 = arith.extui %and3A_192 : i1 to i32
      %cond3A_194 = arith.constant 0 : i32
      %cond3A_195 = arith.cmpi ne, %convert_element_type3A_193, %cond3A_194 : i32
      scf.if %cond3A_195 {
        %dma_wait3A_341 = arith.constant 0 : i32
        %dma_wait3A_342 = arith.constant 0 : i32
        %dma_wait3A_343 = tpu.memref_slice %arg6[%dma_wait3A_341, %dma_wait3A_342] : memref<10000x128xf32, #tpu.memory_space<vmem_shared>> -> memref<10000x128xf32, #tpu.memory_space<vmem_shared>>
        tpu.wait_indirect_dma semaphore(%arg35 : memref<!tpu.dma_semaphore, #tpu.memory_space<semaphore_mem>>) src(%arg17 : memref<40x128xf32, #tpu.memory_space<vmem>>) dst(%dma_wait3A_343 : memref<10000x128xf32, #tpu.memory_space<vmem_shared>>)
        %add3A_344 = arith.constant 7 : i32
        %add3A_345 = arith.addi %add3A_180, %add3A_344 : i32
        %mul3A_346 = arith.constant 40 : i32
        %mul3A_347 = arith.muli %add3A_345, %mul3A_346 : i32
        %add3A_348 = arith.addi %mul3A_2, %mul3A_347 : i32
        %dma_start3A_349 = tpu.memref_slice %arg3[%add3A_348] : memref<320000xi32, #tpu.memory_space<hbm>> -> memref<40xi32, #tpu.memory_space<hbm>>
        %dma_start3A_350 = tpu.memref_slice %arg3[%add3A_348] : memref<320000xi32, #tpu.memory_space<hbm>> -> memref<40xi32, #tpu.memory_space<hbm>>
        tpu.enqueue_dma source(%dma_start3A_350 : memref<40xi32, #tpu.memory_space<hbm>>) target(%arg8 : memref<40xi32, #tpu.memory_space<vmem>>) target_semaphore(%arg26 : memref<!tpu.dma_semaphore, #tpu.memory_space<semaphore_mem>>)
        %dma_start3A_351 = arith.constant 0 : i32
        %dma_start3A_352 = tpu.memref_slice %arg2[%add3A_348, %dma_start3A_351] : memref<320000x128xf32, #tpu.memory_space<hbm>> -> memref<40x128xf32, #tpu.memory_space<hbm>>
        %dma_start3A_353 = arith.constant 0 : i32
        %dma_start3A_354 = tpu.memref_slice %arg2[%add3A_348, %dma_start3A_353] : memref<320000x128xf32, #tpu.memory_space<hbm>> -> memref<40x128xf32, #tpu.memory_space<hbm>>
        tpu.enqueue_dma source(%dma_start3A_354 : memref<40x128xf32, #tpu.memory_space<hbm>>) target(%arg17 : memref<40x128xf32, #tpu.memory_space<vmem>>) target_semaphore(%arg26 : memref<!tpu.dma_semaphore, #tpu.memory_space<semaphore_mem>>)
      } else {
      }
      %add3A_196 = arith.constant 7 : i32
      %add3A_197 = arith.addi %add3A_180, %add3A_196 : i32
      %lt3A_198 = arith.constant 250 : i32
      %lt3A_199 = arith.cmpi slt, %add3A_197, %lt3A_198 : i32
      %lt3A_200 = arith.constant 2 : i32
      %lt3A_201 = arith.cmpi slt, %add3A_180, %lt3A_200 : i32
      %and3A_202 = arith.andi %lt3A_199, %lt3A_201 : i1
      %convert_element_type3A_203 = arith.extui %and3A_202 : i1 to i32
      %cond3A_204 = arith.constant 0 : i32
      %cond3A_205 = arith.cmpi ne, %convert_element_type3A_203, %cond3A_204 : i32
      scf.if %cond3A_205 {
        %add3A_341 = arith.constant 7 : i32
        %add3A_342 = arith.addi %add3A_180, %add3A_341 : i32
        %mul3A_343 = arith.constant 40 : i32
        %mul3A_344 = arith.muli %add3A_342, %mul3A_343 : i32
        %add3A_345 = arith.addi %mul3A_2, %mul3A_344 : i32
        %dma_start3A_346 = tpu.memref_slice %arg3[%add3A_345] : memref<320000xi32, #tpu.memory_space<hbm>> -> memref<40xi32, #tpu.memory_space<hbm>>
        %dma_start3A_347 = tpu.memref_slice %arg3[%add3A_345] : memref<320000xi32, #tpu.memory_space<hbm>> -> memref<40xi32, #tpu.memory_space<hbm>>
        tpu.enqueue_dma source(%dma_start3A_347 : memref<40xi32, #tpu.memory_space<hbm>>) target(%arg8 : memref<40xi32, #tpu.memory_space<vmem>>) target_semaphore(%arg26 : memref<!tpu.dma_semaphore, #tpu.memory_space<semaphore_mem>>)
        %dma_start3A_348 = arith.constant 0 : i32
        %dma_start3A_349 = tpu.memref_slice %arg2[%add3A_345, %dma_start3A_348] : memref<320000x128xf32, #tpu.memory_space<hbm>> -> memref<40x128xf32, #tpu.memory_space<hbm>>
        %dma_start3A_350 = arith.constant 0 : i32
        %dma_start3A_351 = tpu.memref_slice %arg2[%add3A_345, %dma_start3A_350] : memref<320000x128xf32, #tpu.memory_space<hbm>> -> memref<40x128xf32, #tpu.memory_space<hbm>>
        tpu.enqueue_dma source(%dma_start3A_351 : memref<40x128xf32, #tpu.memory_space<hbm>>) target(%arg17 : memref<40x128xf32, #tpu.memory_space<vmem>>) target_semaphore(%arg26 : memref<!tpu.dma_semaphore, #tpu.memory_space<semaphore_mem>>)
      } else {
      }
      %add3A_206 = arith.constant 4 : i32
      %add3A_207 = arith.addi %mul3A_99, %add3A_206 : i32
      %lt3A_208 = arith.constant 250 : i32
      %lt3A_209 = arith.cmpi slt, %add3A_207, %lt3A_208 : i32
      %convert_element_type3A_210 = arith.extui %lt3A_209 : i1 to i32
      %cond3A_211 = arith.constant 0 : i32
      %cond3A_212 = arith.cmpi ne, %convert_element_type3A_210, %cond3A_211 : i32
      scf.if %cond3A_212 {
        %dma_wait3A_341 = tpu.memref_slice %arg3[%mul3A_2] : memref<320000xi32, #tpu.memory_space<hbm>> -> memref<40xi32, #tpu.memory_space<hbm>>
        %dma_wait3A_342 = tpu.memref_slice %arg3[%mul3A_2] : memref<320000xi32, #tpu.memory_space<hbm>> -> memref<40xi32, #tpu.memory_space<hbm>>
        tpu.wait_dma2 semaphore(%arg29 : memref<!tpu.dma_semaphore, #tpu.memory_space<semaphore_mem>>) src(%dma_wait3A_342 : memref<40xi32, #tpu.memory_space<hbm>>) dst(%arg11 : memref<40xi32, #tpu.memory_space<vmem>>)
        %dma_wait3A_343 = arith.constant 0 : i32
        %dma_wait3A_344 = tpu.memref_slice %arg2[%mul3A_2, %dma_wait3A_343] : memref<320000x128xf32, #tpu.memory_space<hbm>> -> memref<40x128xf32, #tpu.memory_space<hbm>>
        %dma_wait3A_345 = arith.constant 0 : i32
        %dma_wait3A_346 = tpu.memref_slice %arg2[%mul3A_2, %dma_wait3A_345] : memref<320000x128xf32, #tpu.memory_space<hbm>> -> memref<40x128xf32, #tpu.memory_space<hbm>>
        tpu.wait_dma2 semaphore(%arg29 : memref<!tpu.dma_semaphore, #tpu.memory_space<semaphore_mem>>) src(%dma_wait3A_346 : memref<40x128xf32, #tpu.memory_space<hbm>>) dst(%arg20 : memref<40x128xf32, #tpu.memory_space<vmem>>)
        %dma_start3A_347 = arith.constant 0 : i32
        %dma_start3A_348 = arith.constant 0 : i32
        %dma_start3A_349 = tpu.memref_slice %arg6[%dma_start3A_347, %dma_start3A_348] : memref<10000x128xf32, #tpu.memory_space<vmem_shared>> -> memref<10000x128xf32, #tpu.memory_space<vmem_shared>>
        tpu.enqueue_indirect_dma source(%arg20 : memref<40x128xf32, #tpu.memory_space<vmem>>) target(%dma_start3A_349 : memref<10000x128xf32, #tpu.memory_space<vmem_shared>>) offsets(%arg11 : memref<40xi32, #tpu.memory_space<vmem>>) semaphore(%arg38 : memref<!tpu.dma_semaphore, #tpu.memory_space<semaphore_mem>>) {add = true}
      } else {
      }
      %add3A_213 = arith.constant 7 : i32
      %add3A_214 = arith.addi %add3A_207, %add3A_213 : i32
      %lt3A_215 = arith.constant 250 : i32
      %lt3A_216 = arith.cmpi slt, %add3A_214, %lt3A_215 : i32
      %ge3A_217 = arith.constant 2 : i32
      %ge3A_218 = arith.cmpi sge, %add3A_207, %ge3A_217 : i32
      %and3A_219 = arith.andi %lt3A_216, %ge3A_218 : i1
      %convert_element_type3A_220 = arith.extui %and3A_219 : i1 to i32
      %cond3A_221 = arith.constant 0 : i32
      %cond3A_222 = arith.cmpi ne, %convert_element_type3A_220, %cond3A_221 : i32
      scf.if %cond3A_222 {
        %dma_wait3A_341 = arith.constant 0 : i32
        %dma_wait3A_342 = arith.constant 0 : i32
        %dma_wait3A_343 = tpu.memref_slice %arg6[%dma_wait3A_341, %dma_wait3A_342] : memref<10000x128xf32, #tpu.memory_space<vmem_shared>> -> memref<10000x128xf32, #tpu.memory_space<vmem_shared>>
        tpu.wait_indirect_dma semaphore(%arg36 : memref<!tpu.dma_semaphore, #tpu.memory_space<semaphore_mem>>) src(%arg18 : memref<40x128xf32, #tpu.memory_space<vmem>>) dst(%dma_wait3A_343 : memref<10000x128xf32, #tpu.memory_space<vmem_shared>>)
        %add3A_344 = arith.constant 7 : i32
        %add3A_345 = arith.addi %add3A_207, %add3A_344 : i32
        %mul3A_346 = arith.constant 40 : i32
        %mul3A_347 = arith.muli %add3A_345, %mul3A_346 : i32
        %add3A_348 = arith.addi %mul3A_2, %mul3A_347 : i32
        %dma_start3A_349 = tpu.memref_slice %arg3[%add3A_348] : memref<320000xi32, #tpu.memory_space<hbm>> -> memref<40xi32, #tpu.memory_space<hbm>>
        %dma_start3A_350 = tpu.memref_slice %arg3[%add3A_348] : memref<320000xi32, #tpu.memory_space<hbm>> -> memref<40xi32, #tpu.memory_space<hbm>>
        tpu.enqueue_dma source(%dma_start3A_350 : memref<40xi32, #tpu.memory_space<hbm>>) target(%arg9 : memref<40xi32, #tpu.memory_space<vmem>>) target_semaphore(%arg27 : memref<!tpu.dma_semaphore, #tpu.memory_space<semaphore_mem>>)
        %dma_start3A_351 = arith.constant 0 : i32
        %dma_start3A_352 = tpu.memref_slice %arg2[%add3A_348, %dma_start3A_351] : memref<320000x128xf32, #tpu.memory_space<hbm>> -> memref<40x128xf32, #tpu.memory_space<hbm>>
        %dma_start3A_353 = arith.constant 0 : i32
        %dma_start3A_354 = tpu.memref_slice %arg2[%add3A_348, %dma_start3A_353] : memref<320000x128xf32, #tpu.memory_space<hbm>> -> memref<40x128xf32, #tpu.memory_space<hbm>>
        tpu.enqueue_dma source(%dma_start3A_354 : memref<40x128xf32, #tpu.memory_space<hbm>>) target(%arg18 : memref<40x128xf32, #tpu.memory_space<vmem>>) target_semaphore(%arg27 : memref<!tpu.dma_semaphore, #tpu.memory_space<semaphore_mem>>)
      } else {
      }
      %add3A_223 = arith.constant 7 : i32
      %add3A_224 = arith.addi %add3A_207, %add3A_223 : i32
      %lt3A_225 = arith.constant 250 : i32
      %lt3A_226 = arith.cmpi slt, %add3A_224, %lt3A_225 : i32
      %lt3A_227 = arith.constant 2 : i32
      %lt3A_228 = arith.cmpi slt, %add3A_207, %lt3A_227 : i32
      %and3A_229 = arith.andi %lt3A_226, %lt3A_228 : i1
      %convert_element_type3A_230 = arith.extui %and3A_229 : i1 to i32
      %cond3A_231 = arith.constant 0 : i32
      %cond3A_232 = arith.cmpi ne, %convert_element_type3A_230, %cond3A_231 : i32
      scf.if %cond3A_232 {
        %add3A_341 = arith.constant 7 : i32
        %add3A_342 = arith.addi %add3A_207, %add3A_341 : i32
        %mul3A_343 = arith.constant 40 : i32
        %mul3A_344 = arith.muli %add3A_342, %mul3A_343 : i32
        %add3A_345 = arith.addi %mul3A_2, %mul3A_344 : i32
        %dma_start3A_346 = tpu.memref_slice %arg3[%add3A_345] : memref<320000xi32, #tpu.memory_space<hbm>> -> memref<40xi32, #tpu.memory_space<hbm>>
        %dma_start3A_347 = tpu.memref_slice %arg3[%add3A_345] : memref<320000xi32, #tpu.memory_space<hbm>> -> memref<40xi32, #tpu.memory_space<hbm>>
        tpu.enqueue_dma source(%dma_start3A_347 : memref<40xi32, #tpu.memory_space<hbm>>) target(%arg9 : memref<40xi32, #tpu.memory_space<vmem>>) target_semaphore(%arg27 : memref<!tpu.dma_semaphore, #tpu.memory_space<semaphore_mem>>)
        %dma_start3A_348 = arith.constant 0 : i32
        %dma_start3A_349 = tpu.memref_slice %arg2[%add3A_345, %dma_start3A_348] : memref<320000x128xf32, #tpu.memory_space<hbm>> -> memref<40x128xf32, #tpu.memory_space<hbm>>
        %dma_start3A_350 = arith.constant 0 : i32
        %dma_start3A_351 = tpu.memref_slice %arg2[%add3A_345, %dma_start3A_350] : memref<320000x128xf32, #tpu.memory_space<hbm>> -> memref<40x128xf32, #tpu.memory_space<hbm>>
        tpu.enqueue_dma source(%dma_start3A_351 : memref<40x128xf32, #tpu.memory_space<hbm>>) target(%arg18 : memref<40x128xf32, #tpu.memory_space<vmem>>) target_semaphore(%arg27 : memref<!tpu.dma_semaphore, #tpu.memory_space<semaphore_mem>>)
      } else {
      }
      %add3A_233 = arith.constant 5 : i32
      %add3A_234 = arith.addi %mul3A_99, %add3A_233 : i32
      %lt3A_235 = arith.constant 250 : i32
      %lt3A_236 = arith.cmpi slt, %add3A_234, %lt3A_235 : i32
      %convert_element_type3A_237 = arith.extui %lt3A_236 : i1 to i32
      %cond3A_238 = arith.constant 0 : i32
      %cond3A_239 = arith.cmpi ne, %convert_element_type3A_237, %cond3A_238 : i32
      scf.if %cond3A_239 {
        %dma_wait3A_341 = tpu.memref_slice %arg3[%mul3A_2] : memref<320000xi32, #tpu.memory_space<hbm>> -> memref<40xi32, #tpu.memory_space<hbm>>
        %dma_wait3A_342 = tpu.memref_slice %arg3[%mul3A_2] : memref<320000xi32, #tpu.memory_space<hbm>> -> memref<40xi32, #tpu.memory_space<hbm>>
        tpu.wait_dma2 semaphore(%arg30 : memref<!tpu.dma_semaphore, #tpu.memory_space<semaphore_mem>>) src(%dma_wait3A_342 : memref<40xi32, #tpu.memory_space<hbm>>) dst(%arg12 : memref<40xi32, #tpu.memory_space<vmem>>)
        %dma_wait3A_343 = arith.constant 0 : i32
        %dma_wait3A_344 = tpu.memref_slice %arg2[%mul3A_2, %dma_wait3A_343] : memref<320000x128xf32, #tpu.memory_space<hbm>> -> memref<40x128xf32, #tpu.memory_space<hbm>>
        %dma_wait3A_345 = arith.constant 0 : i32
        %dma_wait3A_346 = tpu.memref_slice %arg2[%mul3A_2, %dma_wait3A_345] : memref<320000x128xf32, #tpu.memory_space<hbm>> -> memref<40x128xf32, #tpu.memory_space<hbm>>
        tpu.wait_dma2 semaphore(%arg30 : memref<!tpu.dma_semaphore, #tpu.memory_space<semaphore_mem>>) src(%dma_wait3A_346 : memref<40x128xf32, #tpu.memory_space<hbm>>) dst(%arg21 : memref<40x128xf32, #tpu.memory_space<vmem>>)
        %dma_start3A_347 = arith.constant 0 : i32
        %dma_start3A_348 = arith.constant 0 : i32
        %dma_start3A_349 = tpu.memref_slice %arg6[%dma_start3A_347, %dma_start3A_348] : memref<10000x128xf32, #tpu.memory_space<vmem_shared>> -> memref<10000x128xf32, #tpu.memory_space<vmem_shared>>
        tpu.enqueue_indirect_dma source(%arg21 : memref<40x128xf32, #tpu.memory_space<vmem>>) target(%dma_start3A_349 : memref<10000x128xf32, #tpu.memory_space<vmem_shared>>) offsets(%arg12 : memref<40xi32, #tpu.memory_space<vmem>>) semaphore(%arg39 : memref<!tpu.dma_semaphore, #tpu.memory_space<semaphore_mem>>) {add = true}
      } else {
      }
      %add3A_240 = arith.constant 7 : i32
      %add3A_241 = arith.addi %add3A_234, %add3A_240 : i32
      %lt3A_242 = arith.constant 250 : i32
      %lt3A_243 = arith.cmpi slt, %add3A_241, %lt3A_242 : i32
      %ge3A_244 = arith.constant 2 : i32
      %ge3A_245 = arith.cmpi sge, %add3A_234, %ge3A_244 : i32
      %and3A_246 = arith.andi %lt3A_243, %ge3A_245 : i1
      %convert_element_type3A_247 = arith.extui %and3A_246 : i1 to i32
      %cond3A_248 = arith.constant 0 : i32
      %cond3A_249 = arith.cmpi ne, %convert_element_type3A_247, %cond3A_248 : i32
      scf.if %cond3A_249 {
        %dma_wait3A_341 = arith.constant 0 : i32
        %dma_wait3A_342 = arith.constant 0 : i32
        %dma_wait3A_343 = tpu.memref_slice %arg6[%dma_wait3A_341, %dma_wait3A_342] : memref<10000x128xf32, #tpu.memory_space<vmem_shared>> -> memref<10000x128xf32, #tpu.memory_space<vmem_shared>>
        tpu.wait_indirect_dma semaphore(%arg37 : memref<!tpu.dma_semaphore, #tpu.memory_space<semaphore_mem>>) src(%arg19 : memref<40x128xf32, #tpu.memory_space<vmem>>) dst(%dma_wait3A_343 : memref<10000x128xf32, #tpu.memory_space<vmem_shared>>)
        %add3A_344 = arith.constant 7 : i32
        %add3A_345 = arith.addi %add3A_234, %add3A_344 : i32
        %mul3A_346 = arith.constant 40 : i32
        %mul3A_347 = arith.muli %add3A_345, %mul3A_346 : i32
        %add3A_348 = arith.addi %mul3A_2, %mul3A_347 : i32
        %dma_start3A_349 = tpu.memref_slice %arg3[%add3A_348] : memref<320000xi32, #tpu.memory_space<hbm>> -> memref<40xi32, #tpu.memory_space<hbm>>
        %dma_start3A_350 = tpu.memref_slice %arg3[%add3A_348] : memref<320000xi32, #tpu.memory_space<hbm>> -> memref<40xi32, #tpu.memory_space<hbm>>
        tpu.enqueue_dma source(%dma_start3A_350 : memref<40xi32, #tpu.memory_space<hbm>>) target(%arg10 : memref<40xi32, #tpu.memory_space<vmem>>) target_semaphore(%arg28 : memref<!tpu.dma_semaphore, #tpu.memory_space<semaphore_mem>>)
        %dma_start3A_351 = arith.constant 0 : i32
        %dma_start3A_352 = tpu.memref_slice %arg2[%add3A_348, %dma_start3A_351] : memref<320000x128xf32, #tpu.memory_space<hbm>> -> memref<40x128xf32, #tpu.memory_space<hbm>>
        %dma_start3A_353 = arith.constant 0 : i32
        %dma_start3A_354 = tpu.memref_slice %arg2[%add3A_348, %dma_start3A_353] : memref<320000x128xf32, #tpu.memory_space<hbm>> -> memref<40x128xf32, #tpu.memory_space<hbm>>
        tpu.enqueue_dma source(%dma_start3A_354 : memref<40x128xf32, #tpu.memory_space<hbm>>) target(%arg19 : memref<40x128xf32, #tpu.memory_space<vmem>>) target_semaphore(%arg28 : memref<!tpu.dma_semaphore, #tpu.memory_space<semaphore_mem>>)
      } else {
      }
      %add3A_250 = arith.constant 7 : i32
      %add3A_251 = arith.addi %add3A_234, %add3A_250 : i32
      %lt3A_252 = arith.constant 250 : i32
      %lt3A_253 = arith.cmpi slt, %add3A_251, %lt3A_252 : i32
      %lt3A_254 = arith.constant 2 : i32
      %lt3A_255 = arith.cmpi slt, %add3A_234, %lt3A_254 : i32
      %and3A_256 = arith.andi %lt3A_253, %lt3A_255 : i1
      %convert_element_type3A_257 = arith.extui %and3A_256 : i1 to i32
      %cond3A_258 = arith.constant 0 : i32
      %cond3A_259 = arith.cmpi ne, %convert_element_type3A_257, %cond3A_258 : i32
      scf.if %cond3A_259 {
        %add3A_341 = arith.constant 7 : i32
        %add3A_342 = arith.addi %add3A_234, %add3A_341 : i32
        %mul3A_343 = arith.constant 40 : i32
        %mul3A_344 = arith.muli %add3A_342, %mul3A_343 : i32
        %add3A_345 = arith.addi %mul3A_2, %mul3A_344 : i32
        %dma_start3A_346 = tpu.memref_slice %arg3[%add3A_345] : memref<320000xi32, #tpu.memory_space<hbm>> -> memref<40xi32, #tpu.memory_space<hbm>>
        %dma_start3A_347 = tpu.memref_slice %arg3[%add3A_345] : memref<320000xi32, #tpu.memory_space<hbm>> -> memref<40xi32, #tpu.memory_space<hbm>>
        tpu.enqueue_dma source(%dma_start3A_347 : memref<40xi32, #tpu.memory_space<hbm>>) target(%arg10 : memref<40xi32, #tpu.memory_space<vmem>>) target_semaphore(%arg28 : memref<!tpu.dma_semaphore, #tpu.memory_space<semaphore_mem>>)
        %dma_start3A_348 = arith.constant 0 : i32
        %dma_start3A_349 = tpu.memref_slice %arg2[%add3A_345, %dma_start3A_348] : memref<320000x128xf32, #tpu.memory_space<hbm>> -> memref<40x128xf32, #tpu.memory_space<hbm>>
        %dma_start3A_350 = arith.constant 0 : i32
        %dma_start3A_351 = tpu.memref_slice %arg2[%add3A_345, %dma_start3A_350] : memref<320000x128xf32, #tpu.memory_space<hbm>> -> memref<40x128xf32, #tpu.memory_space<hbm>>
        tpu.enqueue_dma source(%dma_start3A_351 : memref<40x128xf32, #tpu.memory_space<hbm>>) target(%arg19 : memref<40x128xf32, #tpu.memory_space<vmem>>) target_semaphore(%arg28 : memref<!tpu.dma_semaphore, #tpu.memory_space<semaphore_mem>>)
      } else {
      }
      %add3A_260 = arith.constant 6 : i32
      %add3A_261 = arith.addi %mul3A_99, %add3A_260 : i32
      %lt3A_262 = arith.constant 250 : i32
      %lt3A_263 = arith.cmpi slt, %add3A_261, %lt3A_262 : i32
      %convert_element_type3A_264 = arith.extui %lt3A_263 : i1 to i32
      %cond3A_265 = arith.constant 0 : i32
      %cond3A_266 = arith.cmpi ne, %convert_element_type3A_264, %cond3A_265 : i32
      scf.if %cond3A_266 {
        %dma_wait3A_341 = tpu.memref_slice %arg3[%mul3A_2] : memref<320000xi32, #tpu.memory_space<hbm>> -> memref<40xi32, #tpu.memory_space<hbm>>
        %dma_wait3A_342 = tpu.memref_slice %arg3[%mul3A_2] : memref<320000xi32, #tpu.memory_space<hbm>> -> memref<40xi32, #tpu.memory_space<hbm>>
        tpu.wait_dma2 semaphore(%arg31 : memref<!tpu.dma_semaphore, #tpu.memory_space<semaphore_mem>>) src(%dma_wait3A_342 : memref<40xi32, #tpu.memory_space<hbm>>) dst(%arg13 : memref<40xi32, #tpu.memory_space<vmem>>)
        %dma_wait3A_343 = arith.constant 0 : i32
        %dma_wait3A_344 = tpu.memref_slice %arg2[%mul3A_2, %dma_wait3A_343] : memref<320000x128xf32, #tpu.memory_space<hbm>> -> memref<40x128xf32, #tpu.memory_space<hbm>>
        %dma_wait3A_345 = arith.constant 0 : i32
        %dma_wait3A_346 = tpu.memref_slice %arg2[%mul3A_2, %dma_wait3A_345] : memref<320000x128xf32, #tpu.memory_space<hbm>> -> memref<40x128xf32, #tpu.memory_space<hbm>>
        tpu.wait_dma2 semaphore(%arg31 : memref<!tpu.dma_semaphore, #tpu.memory_space<semaphore_mem>>) src(%dma_wait3A_346 : memref<40x128xf32, #tpu.memory_space<hbm>>) dst(%arg22 : memref<40x128xf32, #tpu.memory_space<vmem>>)
        %dma_start3A_347 = arith.constant 0 : i32
        %dma_start3A_348 = arith.constant 0 : i32
        %dma_start3A_349 = tpu.memref_slice %arg6[%dma_start3A_347, %dma_start3A_348] : memref<10000x128xf32, #tpu.memory_space<vmem_shared>> -> memref<10000x128xf32, #tpu.memory_space<vmem_shared>>
        tpu.enqueue_indirect_dma source(%arg22 : memref<40x128xf32, #tpu.memory_space<vmem>>) target(%dma_start3A_349 : memref<10000x128xf32, #tpu.memory_space<vmem_shared>>) offsets(%arg13 : memref<40xi32, #tpu.memory_space<vmem>>) semaphore(%arg40 : memref<!tpu.dma_semaphore, #tpu.memory_space<semaphore_mem>>) {add = true}
      } else {
      }
      %add3A_267 = arith.constant 7 : i32
      %add3A_268 = arith.addi %add3A_261, %add3A_267 : i32
      %lt3A_269 = arith.constant 250 : i32
      %lt3A_270 = arith.cmpi slt, %add3A_268, %lt3A_269 : i32
      %ge3A_271 = arith.constant 2 : i32
      %ge3A_272 = arith.cmpi sge, %add3A_261, %ge3A_271 : i32
      %and3A_273 = arith.andi %lt3A_270, %ge3A_272 : i1
      %convert_element_type3A_274 = arith.extui %and3A_273 : i1 to i32
      %cond3A_275 = arith.constant 0 : i32
      %cond3A_276 = arith.cmpi ne, %convert_element_type3A_274, %cond3A_275 : i32
      scf.if %cond3A_276 {
        %dma_wait3A_341 = arith.constant 0 : i32
        %dma_wait3A_342 = arith.constant 0 : i32
        %dma_wait3A_343 = tpu.memref_slice %arg6[%dma_wait3A_341, %dma_wait3A_342] : memref<10000x128xf32, #tpu.memory_space<vmem_shared>> -> memref<10000x128xf32, #tpu.memory_space<vmem_shared>>
        tpu.wait_indirect_dma semaphore(%arg38 : memref<!tpu.dma_semaphore, #tpu.memory_space<semaphore_mem>>) src(%arg20 : memref<40x128xf32, #tpu.memory_space<vmem>>) dst(%dma_wait3A_343 : memref<10000x128xf32, #tpu.memory_space<vmem_shared>>)
        %add3A_344 = arith.constant 7 : i32
        %add3A_345 = arith.addi %add3A_261, %add3A_344 : i32
        %mul3A_346 = arith.constant 40 : i32
        %mul3A_347 = arith.muli %add3A_345, %mul3A_346 : i32
        %add3A_348 = arith.addi %mul3A_2, %mul3A_347 : i32
        %dma_start3A_349 = tpu.memref_slice %arg3[%add3A_348] : memref<320000xi32, #tpu.memory_space<hbm>> -> memref<40xi32, #tpu.memory_space<hbm>>
        %dma_start3A_350 = tpu.memref_slice %arg3[%add3A_348] : memref<320000xi32, #tpu.memory_space<hbm>> -> memref<40xi32, #tpu.memory_space<hbm>>
        tpu.enqueue_dma source(%dma_start3A_350 : memref<40xi32, #tpu.memory_space<hbm>>) target(%arg11 : memref<40xi32, #tpu.memory_space<vmem>>) target_semaphore(%arg29 : memref<!tpu.dma_semaphore, #tpu.memory_space<semaphore_mem>>)
        %dma_start3A_351 = arith.constant 0 : i32
        %dma_start3A_352 = tpu.memref_slice %arg2[%add3A_348, %dma_start3A_351] : memref<320000x128xf32, #tpu.memory_space<hbm>> -> memref<40x128xf32, #tpu.memory_space<hbm>>
        %dma_start3A_353 = arith.constant 0 : i32
        %dma_start3A_354 = tpu.memref_slice %arg2[%add3A_348, %dma_start3A_353] : memref<320000x128xf32, #tpu.memory_space<hbm>> -> memref<40x128xf32, #tpu.memory_space<hbm>>
        tpu.enqueue_dma source(%dma_start3A_354 : memref<40x128xf32, #tpu.memory_space<hbm>>) target(%arg20 : memref<40x128xf32, #tpu.memory_space<vmem>>) target_semaphore(%arg29 : memref<!tpu.dma_semaphore, #tpu.memory_space<semaphore_mem>>)
      } else {
      }
      %add3A_277 = arith.constant 7 : i32
      %add3A_278 = arith.addi %add3A_261, %add3A_277 : i32
      %lt3A_279 = arith.constant 250 : i32
      %lt3A_280 = arith.cmpi slt, %add3A_278, %lt3A_279 : i32
      %lt3A_281 = arith.constant 2 : i32
      %lt3A_282 = arith.cmpi slt, %add3A_261, %lt3A_281 : i32
      %and3A_283 = arith.andi %lt3A_280, %lt3A_282 : i1
      %convert_element_type3A_284 = arith.extui %and3A_283 : i1 to i32
      %cond3A_285 = arith.constant 0 : i32
      %cond3A_286 = arith.cmpi ne, %convert_element_type3A_284, %cond3A_285 : i32
      scf.if %cond3A_286 {
        %add3A_341 = arith.constant 7 : i32
        %add3A_342 = arith.addi %add3A_261, %add3A_341 : i32
        %mul3A_343 = arith.constant 40 : i32
        %mul3A_344 = arith.muli %add3A_342, %mul3A_343 : i32
        %add3A_345 = arith.addi %mul3A_2, %mul3A_344 : i32
        %dma_start3A_346 = tpu.memref_slice %arg3[%add3A_345] : memref<320000xi32, #tpu.memory_space<hbm>> -> memref<40xi32, #tpu.memory_space<hbm>>
        %dma_start3A_347 = tpu.memref_slice %arg3[%add3A_345] : memref<320000xi32, #tpu.memory_space<hbm>> -> memref<40xi32, #tpu.memory_space<hbm>>
        tpu.enqueue_dma source(%dma_start3A_347 : memref<40xi32, #tpu.memory_space<hbm>>) target(%arg11 : memref<40xi32, #tpu.memory_space<vmem>>) target_semaphore(%arg29 : memref<!tpu.dma_semaphore, #tpu.memory_space<semaphore_mem>>)
        %dma_start3A_348 = arith.constant 0 : i32
        %dma_start3A_349 = tpu.memref_slice %arg2[%add3A_345, %dma_start3A_348] : memref<320000x128xf32, #tpu.memory_space<hbm>> -> memref<40x128xf32, #tpu.memory_space<hbm>>
        %dma_start3A_350 = arith.constant 0 : i32
        %dma_start3A_351 = tpu.memref_slice %arg2[%add3A_345, %dma_start3A_350] : memref<320000x128xf32, #tpu.memory_space<hbm>> -> memref<40x128xf32, #tpu.memory_space<hbm>>
        tpu.enqueue_dma source(%dma_start3A_351 : memref<40x128xf32, #tpu.memory_space<hbm>>) target(%arg20 : memref<40x128xf32, #tpu.memory_space<vmem>>) target_semaphore(%arg29 : memref<!tpu.dma_semaphore, #tpu.memory_space<semaphore_mem>>)
      } else {
      }
      %add3A_287 = arith.constant 7 : i32
      %add3A_288 = arith.addi %mul3A_99, %add3A_287 : i32
      %lt3A_289 = arith.constant 250 : i32
      %lt3A_290 = arith.cmpi slt, %add3A_288, %lt3A_289 : i32
      %convert_element_type3A_291 = arith.extui %lt3A_290 : i1 to i32
      %cond3A_292 = arith.constant 0 : i32
      %cond3A_293 = arith.cmpi ne, %convert_element_type3A_291, %cond3A_292 : i32
      scf.if %cond3A_293 {
        %dma_wait3A_341 = tpu.memref_slice %arg3[%mul3A_2] : memref<320000xi32, #tpu.memory_space<hbm>> -> memref<40xi32, #tpu.memory_space<hbm>>
        %dma_wait3A_342 = tpu.memref_slice %arg3[%mul3A_2] : memref<320000xi32, #tpu.memory_space<hbm>> -> memref<40xi32, #tpu.memory_space<hbm>>
        tpu.wait_dma2 semaphore(%arg32 : memref<!tpu.dma_semaphore, #tpu.memory_space<semaphore_mem>>) src(%dma_wait3A_342 : memref<40xi32, #tpu.memory_space<hbm>>) dst(%arg14 : memref<40xi32, #tpu.memory_space<vmem>>)
        %dma_wait3A_343 = arith.constant 0 : i32
        %dma_wait3A_344 = tpu.memref_slice %arg2[%mul3A_2, %dma_wait3A_343] : memref<320000x128xf32, #tpu.memory_space<hbm>> -> memref<40x128xf32, #tpu.memory_space<hbm>>
        %dma_wait3A_345 = arith.constant 0 : i32
        %dma_wait3A_346 = tpu.memref_slice %arg2[%mul3A_2, %dma_wait3A_345] : memref<320000x128xf32, #tpu.memory_space<hbm>> -> memref<40x128xf32, #tpu.memory_space<hbm>>
        tpu.wait_dma2 semaphore(%arg32 : memref<!tpu.dma_semaphore, #tpu.memory_space<semaphore_mem>>) src(%dma_wait3A_346 : memref<40x128xf32, #tpu.memory_space<hbm>>) dst(%arg23 : memref<40x128xf32, #tpu.memory_space<vmem>>)
        %dma_start3A_347 = arith.constant 0 : i32
        %dma_start3A_348 = arith.constant 0 : i32
        %dma_start3A_349 = tpu.memref_slice %arg6[%dma_start3A_347, %dma_start3A_348] : memref<10000x128xf32, #tpu.memory_space<vmem_shared>> -> memref<10000x128xf32, #tpu.memory_space<vmem_shared>>
        tpu.enqueue_indirect_dma source(%arg23 : memref<40x128xf32, #tpu.memory_space<vmem>>) target(%dma_start3A_349 : memref<10000x128xf32, #tpu.memory_space<vmem_shared>>) offsets(%arg14 : memref<40xi32, #tpu.memory_space<vmem>>) semaphore(%arg41 : memref<!tpu.dma_semaphore, #tpu.memory_space<semaphore_mem>>) {add = true}
      } else {
      }
      %add3A_294 = arith.constant 7 : i32
      %add3A_295 = arith.addi %add3A_288, %add3A_294 : i32
      %lt3A_296 = arith.constant 250 : i32
      %lt3A_297 = arith.cmpi slt, %add3A_295, %lt3A_296 : i32
      %ge3A_298 = arith.constant 2 : i32
      %ge3A_299 = arith.cmpi sge, %add3A_288, %ge3A_298 : i32
      %and3A_300 = arith.andi %lt3A_297, %ge3A_299 : i1
      %convert_element_type3A_301 = arith.extui %and3A_300 : i1 to i32
      %cond3A_302 = arith.constant 0 : i32
      %cond3A_303 = arith.cmpi ne, %convert_element_type3A_301, %cond3A_302 : i32
      scf.if %cond3A_303 {
        %dma_wait3A_341 = arith.constant 0 : i32
        %dma_wait3A_342 = arith.constant 0 : i32
        %dma_wait3A_343 = tpu.memref_slice %arg6[%dma_wait3A_341, %dma_wait3A_342] : memref<10000x128xf32, #tpu.memory_space<vmem_shared>> -> memref<10000x128xf32, #tpu.memory_space<vmem_shared>>
        tpu.wait_indirect_dma semaphore(%arg39 : memref<!tpu.dma_semaphore, #tpu.memory_space<semaphore_mem>>) src(%arg21 : memref<40x128xf32, #tpu.memory_space<vmem>>) dst(%dma_wait3A_343 : memref<10000x128xf32, #tpu.memory_space<vmem_shared>>)
        %add3A_344 = arith.constant 7 : i32
        %add3A_345 = arith.addi %add3A_288, %add3A_344 : i32
        %mul3A_346 = arith.constant 40 : i32
        %mul3A_347 = arith.muli %add3A_345, %mul3A_346 : i32
        %add3A_348 = arith.addi %mul3A_2, %mul3A_347 : i32
        %dma_start3A_349 = tpu.memref_slice %arg3[%add3A_348] : memref<320000xi32, #tpu.memory_space<hbm>> -> memref<40xi32, #tpu.memory_space<hbm>>
        %dma_start3A_350 = tpu.memref_slice %arg3[%add3A_348] : memref<320000xi32, #tpu.memory_space<hbm>> -> memref<40xi32, #tpu.memory_space<hbm>>
        tpu.enqueue_dma source(%dma_start3A_350 : memref<40xi32, #tpu.memory_space<hbm>>) target(%arg12 : memref<40xi32, #tpu.memory_space<vmem>>) target_semaphore(%arg30 : memref<!tpu.dma_semaphore, #tpu.memory_space<semaphore_mem>>)
        %dma_start3A_351 = arith.constant 0 : i32
        %dma_start3A_352 = tpu.memref_slice %arg2[%add3A_348, %dma_start3A_351] : memref<320000x128xf32, #tpu.memory_space<hbm>> -> memref<40x128xf32, #tpu.memory_space<hbm>>
        %dma_start3A_353 = arith.constant 0 : i32
        %dma_start3A_354 = tpu.memref_slice %arg2[%add3A_348, %dma_start3A_353] : memref<320000x128xf32, #tpu.memory_space<hbm>> -> memref<40x128xf32, #tpu.memory_space<hbm>>
        tpu.enqueue_dma source(%dma_start3A_354 : memref<40x128xf32, #tpu.memory_space<hbm>>) target(%arg21 : memref<40x128xf32, #tpu.memory_space<vmem>>) target_semaphore(%arg30 : memref<!tpu.dma_semaphore, #tpu.memory_space<semaphore_mem>>)
      } else {
      }
      %add3A_304 = arith.constant 7 : i32
      %add3A_305 = arith.addi %add3A_288, %add3A_304 : i32
      %lt3A_306 = arith.constant 250 : i32
      %lt3A_307 = arith.cmpi slt, %add3A_305, %lt3A_306 : i32
      %lt3A_308 = arith.constant 2 : i32
      %lt3A_309 = arith.cmpi slt, %add3A_288, %lt3A_308 : i32
      %and3A_310 = arith.andi %lt3A_307, %lt3A_309 : i1
      %convert_element_type3A_311 = arith.extui %and3A_310 : i1 to i32
      %cond3A_312 = arith.constant 0 : i32
      %cond3A_313 = arith.cmpi ne, %convert_element_type3A_311, %cond3A_312 : i32
      scf.if %cond3A_313 {
        %add3A_341 = arith.constant 7 : i32
        %add3A_342 = arith.addi %add3A_288, %add3A_341 : i32
        %mul3A_343 = arith.constant 40 : i32
        %mul3A_344 = arith.muli %add3A_342, %mul3A_343 : i32
        %add3A_345 = arith.addi %mul3A_2, %mul3A_344 : i32
        %dma_start3A_346 = tpu.memref_slice %arg3[%add3A_345] : memref<320000xi32, #tpu.memory_space<hbm>> -> memref<40xi32, #tpu.memory_space<hbm>>
        %dma_start3A_347 = tpu.memref_slice %arg3[%add3A_345] : memref<320000xi32, #tpu.memory_space<hbm>> -> memref<40xi32, #tpu.memory_space<hbm>>
        tpu.enqueue_dma source(%dma_start3A_347 : memref<40xi32, #tpu.memory_space<hbm>>) target(%arg12 : memref<40xi32, #tpu.memory_space<vmem>>) target_semaphore(%arg30 : memref<!tpu.dma_semaphore, #tpu.memory_space<semaphore_mem>>)
        %dma_start3A_348 = arith.constant 0 : i32
        %dma_start3A_349 = tpu.memref_slice %arg2[%add3A_345, %dma_start3A_348] : memref<320000x128xf32, #tpu.memory_space<hbm>> -> memref<40x128xf32, #tpu.memory_space<hbm>>
        %dma_start3A_350 = arith.constant 0 : i32
        %dma_start3A_351 = tpu.memref_slice %arg2[%add3A_345, %dma_start3A_350] : memref<320000x128xf32, #tpu.memory_space<hbm>> -> memref<40x128xf32, #tpu.memory_space<hbm>>
        tpu.enqueue_dma source(%dma_start3A_351 : memref<40x128xf32, #tpu.memory_space<hbm>>) target(%arg21 : memref<40x128xf32, #tpu.memory_space<vmem>>) target_semaphore(%arg30 : memref<!tpu.dma_semaphore, #tpu.memory_space<semaphore_mem>>)
      } else {
      }
      %add3A_314 = arith.constant 8 : i32
      %add3A_315 = arith.addi %mul3A_99, %add3A_314 : i32
      %lt3A_316 = arith.constant 250 : i32
      %lt3A_317 = arith.cmpi slt, %add3A_315, %lt3A_316 : i32
      %convert_element_type3A_318 = arith.extui %lt3A_317 : i1 to i32
      %cond3A_319 = arith.constant 0 : i32
      %cond3A_320 = arith.cmpi ne, %convert_element_type3A_318, %cond3A_319 : i32
      scf.if %cond3A_320 {
        %dma_wait3A_341 = tpu.memref_slice %arg3[%mul3A_2] : memref<320000xi32, #tpu.memory_space<hbm>> -> memref<40xi32, #tpu.memory_space<hbm>>
        %dma_wait3A_342 = tpu.memref_slice %arg3[%mul3A_2] : memref<320000xi32, #tpu.memory_space<hbm>> -> memref<40xi32, #tpu.memory_space<hbm>>
        tpu.wait_dma2 semaphore(%arg33 : memref<!tpu.dma_semaphore, #tpu.memory_space<semaphore_mem>>) src(%dma_wait3A_342 : memref<40xi32, #tpu.memory_space<hbm>>) dst(%arg15 : memref<40xi32, #tpu.memory_space<vmem>>)
        %dma_wait3A_343 = arith.constant 0 : i32
        %dma_wait3A_344 = tpu.memref_slice %arg2[%mul3A_2, %dma_wait3A_343] : memref<320000x128xf32, #tpu.memory_space<hbm>> -> memref<40x128xf32, #tpu.memory_space<hbm>>
        %dma_wait3A_345 = arith.constant 0 : i32
        %dma_wait3A_346 = tpu.memref_slice %arg2[%mul3A_2, %dma_wait3A_345] : memref<320000x128xf32, #tpu.memory_space<hbm>> -> memref<40x128xf32, #tpu.memory_space<hbm>>
        tpu.wait_dma2 semaphore(%arg33 : memref<!tpu.dma_semaphore, #tpu.memory_space<semaphore_mem>>) src(%dma_wait3A_346 : memref<40x128xf32, #tpu.memory_space<hbm>>) dst(%arg24 : memref<40x128xf32, #tpu.memory_space<vmem>>)
        %dma_start3A_347 = arith.constant 0 : i32
        %dma_start3A_348 = arith.constant 0 : i32
        %dma_start3A_349 = tpu.memref_slice %arg6[%dma_start3A_347, %dma_start3A_348] : memref<10000x128xf32, #tpu.memory_space<vmem_shared>> -> memref<10000x128xf32, #tpu.memory_space<vmem_shared>>
        tpu.enqueue_indirect_dma source(%arg24 : memref<40x128xf32, #tpu.memory_space<vmem>>) target(%dma_start3A_349 : memref<10000x128xf32, #tpu.memory_space<vmem_shared>>) offsets(%arg15 : memref<40xi32, #tpu.memory_space<vmem>>) semaphore(%arg42 : memref<!tpu.dma_semaphore, #tpu.memory_space<semaphore_mem>>) {add = true}
      } else {
      }
      %add3A_321 = arith.constant 7 : i32
      %add3A_322 = arith.addi %add3A_315, %add3A_321 : i32
      %lt3A_323 = arith.constant 250 : i32
      %lt3A_324 = arith.cmpi slt, %add3A_322, %lt3A_323 : i32
      %ge3A_325 = arith.constant 2 : i32
      %ge3A_326 = arith.cmpi sge, %add3A_315, %ge3A_325 : i32
      %and3A_327 = arith.andi %lt3A_324, %ge3A_326 : i1
      %convert_element_type3A_328 = arith.extui %and3A_327 : i1 to i32
      %cond3A_329 = arith.constant 0 : i32
      %cond3A_330 = arith.cmpi ne, %convert_element_type3A_328, %cond3A_329 : i32
      scf.if %cond3A_330 {
        %dma_wait3A_341 = arith.constant 0 : i32
        %dma_wait3A_342 = arith.constant 0 : i32
        %dma_wait3A_343 = tpu.memref_slice %arg6[%dma_wait3A_341, %dma_wait3A_342] : memref<10000x128xf32, #tpu.memory_space<vmem_shared>> -> memref<10000x128xf32, #tpu.memory_space<vmem_shared>>
        tpu.wait_indirect_dma semaphore(%arg40 : memref<!tpu.dma_semaphore, #tpu.memory_space<semaphore_mem>>) src(%arg22 : memref<40x128xf32, #tpu.memory_space<vmem>>) dst(%dma_wait3A_343 : memref<10000x128xf32, #tpu.memory_space<vmem_shared>>)
        %add3A_344 = arith.constant 7 : i32
        %add3A_345 = arith.addi %add3A_315, %add3A_344 : i32
        %mul3A_346 = arith.constant 40 : i32
        %mul3A_347 = arith.muli %add3A_345, %mul3A_346 : i32
        %add3A_348 = arith.addi %mul3A_2, %mul3A_347 : i32
        %dma_start3A_349 = tpu.memref_slice %arg3[%add3A_348] : memref<320000xi32, #tpu.memory_space<hbm>> -> memref<40xi32, #tpu.memory_space<hbm>>
        %dma_start3A_350 = tpu.memref_slice %arg3[%add3A_348] : memref<320000xi32, #tpu.memory_space<hbm>> -> memref<40xi32, #tpu.memory_space<hbm>>
        tpu.enqueue_dma source(%dma_start3A_350 : memref<40xi32, #tpu.memory_space<hbm>>) target(%arg13 : memref<40xi32, #tpu.memory_space<vmem>>) target_semaphore(%arg31 : memref<!tpu.dma_semaphore, #tpu.memory_space<semaphore_mem>>)
        %dma_start3A_351 = arith.constant 0 : i32
        %dma_start3A_352 = tpu.memref_slice %arg2[%add3A_348, %dma_start3A_351] : memref<320000x128xf32, #tpu.memory_space<hbm>> -> memref<40x128xf32, #tpu.memory_space<hbm>>
        %dma_start3A_353 = arith.constant 0 : i32
        %dma_start3A_354 = tpu.memref_slice %arg2[%add3A_348, %dma_start3A_353] : memref<320000x128xf32, #tpu.memory_space<hbm>> -> memref<40x128xf32, #tpu.memory_space<hbm>>
        tpu.enqueue_dma source(%dma_start3A_354 : memref<40x128xf32, #tpu.memory_space<hbm>>) target(%arg22 : memref<40x128xf32, #tpu.memory_space<vmem>>) target_semaphore(%arg31 : memref<!tpu.dma_semaphore, #tpu.memory_space<semaphore_mem>>)
      } else {
      }
      %add3A_331 = arith.constant 7 : i32
      %add3A_332 = arith.addi %add3A_315, %add3A_331 : i32
      %lt3A_333 = arith.constant 250 : i32
      %lt3A_334 = arith.cmpi slt, %add3A_332, %lt3A_333 : i32
      %lt3A_335 = arith.constant 2 : i32
      %lt3A_336 = arith.cmpi slt, %add3A_315, %lt3A_335 : i32
      %and3A_337 = arith.andi %lt3A_334, %lt3A_336 : i1
      %convert_element_type3A_338 = arith.extui %and3A_337 : i1 to i32
      %cond3A_339 = arith.constant 0 : i32
      %cond3A_340 = arith.cmpi ne, %convert_element_type3A_338, %cond3A_339 : i32
      scf.if %cond3A_340 {
        %add3A_341 = arith.constant 7 : i32
        %add3A_342 = arith.addi %add3A_315, %add3A_341 : i32
        %mul3A_343 = arith.constant 40 : i32
        %mul3A_344 = arith.muli %add3A_342, %mul3A_343 : i32
        %add3A_345 = arith.addi %mul3A_2, %mul3A_344 : i32
        %dma_start3A_346 = tpu.memref_slice %arg3[%add3A_345] : memref<320000xi32, #tpu.memory_space<hbm>> -> memref<40xi32, #tpu.memory_space<hbm>>
        %dma_start3A_347 = tpu.memref_slice %arg3[%add3A_345] : memref<320000xi32, #tpu.memory_space<hbm>> -> memref<40xi32, #tpu.memory_space<hbm>>
        tpu.enqueue_dma source(%dma_start3A_347 : memref<40xi32, #tpu.memory_space<hbm>>) target(%arg13 : memref<40xi32, #tpu.memory_space<vmem>>) target_semaphore(%arg31 : memref<!tpu.dma_semaphore, #tpu.memory_space<semaphore_mem>>)
        %dma_start3A_348 = arith.constant 0 : i32
        %dma_start3A_349 = tpu.memref_slice %arg2[%add3A_345, %dma_start3A_348] : memref<320000x128xf32, #tpu.memory_space<hbm>> -> memref<40x128xf32, #tpu.memory_space<hbm>>
        %dma_start3A_350 = arith.constant 0 : i32
        %dma_start3A_351 = tpu.memref_slice %arg2[%add3A_345, %dma_start3A_350] : memref<320000x128xf32, #tpu.memory_space<hbm>> -> memref<40x128xf32, #tpu.memory_space<hbm>>
        tpu.enqueue_dma source(%dma_start3A_351 : memref<40x128xf32, #tpu.memory_space<hbm>>) target(%arg22 : memref<40x128xf32, #tpu.memory_space<vmem>>) target_semaphore(%arg31 : memref<!tpu.dma_semaphore, #tpu.memory_space<semaphore_mem>>)
      } else {
      }
    }
    %scan3A_64 = arith.constant 28 : i32
    %dma_wait3A = arith.constant 0 : i32
    %dma_wait3A_65 = arith.constant 0 : i32
    %dma_wait3A_66 = tpu.memref_slice %arg6[%dma_wait3A, %dma_wait3A_65] : memref<10000x128xf32, #tpu.memory_space<vmem_shared>> -> memref<10000x128xf32, #tpu.memory_space<vmem_shared>>
    tpu.wait_indirect_dma semaphore(%arg34 : memref<!tpu.dma_semaphore, #tpu.memory_space<semaphore_mem>>) src(%arg16 : memref<40x128xf32, #tpu.memory_space<vmem>>) dst(%dma_wait3A_66 : memref<10000x128xf32, #tpu.memory_space<vmem_shared>>)
    %dma_wait3A_67 = arith.constant 0 : i32
    %dma_wait3A_68 = arith.constant 0 : i32
    %dma_wait3A_69 = tpu.memref_slice %arg6[%dma_wait3A_67, %dma_wait3A_68] : memref<10000x128xf32, #tpu.memory_space<vmem_shared>> -> memref<10000x128xf32, #tpu.memory_space<vmem_shared>>
    tpu.wait_indirect_dma semaphore(%arg35 : memref<!tpu.dma_semaphore, #tpu.memory_space<semaphore_mem>>) src(%arg17 : memref<40x128xf32, #tpu.memory_space<vmem>>) dst(%dma_wait3A_69 : memref<10000x128xf32, #tpu.memory_space<vmem_shared>>)
    %dma_wait3A_70 = arith.constant 0 : i32
    %dma_wait3A_71 = arith.constant 0 : i32
    %dma_wait3A_72 = tpu.memref_slice %arg6[%dma_wait3A_70, %dma_wait3A_71] : memref<10000x128xf32, #tpu.memory_space<vmem_shared>> -> memref<10000x128xf32, #tpu.memory_space<vmem_shared>>
    tpu.wait_indirect_dma semaphore(%arg36 : memref<!tpu.dma_semaphore, #tpu.memory_space<semaphore_mem>>) src(%arg18 : memref<40x128xf32, #tpu.memory_space<vmem>>) dst(%dma_wait3A_72 : memref<10000x128xf32, #tpu.memory_space<vmem_shared>>)
    %dma_wait3A_73 = arith.constant 0 : i32
    %dma_wait3A_74 = arith.constant 0 : i32
    %dma_wait3A_75 = tpu.memref_slice %arg6[%dma_wait3A_73, %dma_wait3A_74] : memref<10000x128xf32, #tpu.memory_space<vmem_shared>> -> memref<10000x128xf32, #tpu.memory_space<vmem_shared>>
    tpu.wait_indirect_dma semaphore(%arg37 : memref<!tpu.dma_semaphore, #tpu.memory_space<semaphore_mem>>) src(%arg19 : memref<40x128xf32, #tpu.memory_space<vmem>>) dst(%dma_wait3A_75 : memref<10000x128xf32, #tpu.memory_space<vmem_shared>>)
    %dma_wait3A_76 = arith.constant 0 : i32
    %dma_wait3A_77 = arith.constant 0 : i32
    %dma_wait3A_78 = tpu.memref_slice %arg6[%dma_wait3A_76, %dma_wait3A_77] : memref<10000x128xf32, #tpu.memory_space<vmem_shared>> -> memref<10000x128xf32, #tpu.memory_space<vmem_shared>>
    tpu.wait_indirect_dma semaphore(%arg38 : memref<!tpu.dma_semaphore, #tpu.memory_space<semaphore_mem>>) src(%arg20 : memref<40x128xf32, #tpu.memory_space<vmem>>) dst(%dma_wait3A_78 : memref<10000x128xf32, #tpu.memory_space<vmem_shared>>)
    %dma_wait3A_79 = arith.constant 0 : i32
    %dma_wait3A_80 = arith.constant 0 : i32
    %dma_wait3A_81 = tpu.memref_slice %arg6[%dma_wait3A_79, %dma_wait3A_80] : memref<10000x128xf32, #tpu.memory_space<vmem_shared>> -> memref<10000x128xf32, #tpu.memory_space<vmem_shared>>
    tpu.wait_indirect_dma semaphore(%arg39 : memref<!tpu.dma_semaphore, #tpu.memory_space<semaphore_mem>>) src(%arg21 : memref<40x128xf32, #tpu.memory_space<vmem>>) dst(%dma_wait3A_81 : memref<10000x128xf32, #tpu.memory_space<vmem_shared>>)
    %dma_wait3A_82 = arith.constant 0 : i32
    %dma_wait3A_83 = arith.constant 0 : i32
    %dma_wait3A_84 = tpu.memref_slice %arg6[%dma_wait3A_82, %dma_wait3A_83] : memref<10000x128xf32, #tpu.memory_space<vmem_shared>> -> memref<10000x128xf32, #tpu.memory_space<vmem_shared>>
    tpu.wait_indirect_dma semaphore(%arg40 : memref<!tpu.dma_semaphore, #tpu.memory_space<semaphore_mem>>) src(%arg22 : memref<40x128xf32, #tpu.memory_space<vmem>>) dst(%dma_wait3A_84 : memref<10000x128xf32, #tpu.memory_space<vmem_shared>>)
    %dma_wait3A_85 = arith.constant 0 : i32
    %dma_wait3A_86 = arith.constant 0 : i32
    %dma_wait3A_87 = tpu.memref_slice %arg6[%dma_wait3A_85, %dma_wait3A_86] : memref<10000x128xf32, #tpu.memory_space<vmem_shared>> -> memref<10000x128xf32, #tpu.memory_space<vmem_shared>>
    tpu.wait_indirect_dma semaphore(%arg41 : memref<!tpu.dma_semaphore, #tpu.memory_space<semaphore_mem>>) src(%arg23 : memref<40x128xf32, #tpu.memory_space<vmem>>) dst(%dma_wait3A_87 : memref<10000x128xf32, #tpu.memory_space<vmem_shared>>)
    %dma_wait3A_88 = arith.constant 0 : i32
    %dma_wait3A_89 = arith.constant 0 : i32
    %dma_wait3A_90 = tpu.memref_slice %arg6[%dma_wait3A_88, %dma_wait3A_89] : memref<10000x128xf32, #tpu.memory_space<vmem_shared>> -> memref<10000x128xf32, #tpu.memory_space<vmem_shared>>
    tpu.wait_indirect_dma semaphore(%arg42 : memref<!tpu.dma_semaphore, #tpu.memory_space<semaphore_mem>>) src(%arg24 : memref<40x128xf32, #tpu.memory_space<vmem>>) dst(%dma_wait3A_90 : memref<10000x128xf32, #tpu.memory_space<vmem_shared>>)
    %barrier3A_91 = arith.constant 0 : index
    tpu.barrier barrier_id(%barrier3A_91)
    %lt3A_92 = arith.constant 10 : i32
    %lt3A_93 = arith.cmpi slt, %arg1, %lt3A_92 : i32
    %convert_element_type3A_94 = arith.extui %lt3A_93 : i1 to i32
    %cond3A_95 = arith.constant 0 : i32
    %cond3A_96 = arith.cmpi ne, %convert_element_type3A_94, %cond3A_95 : i32
    scf.if %cond3A_96 {
      %mul3A_97 = arith.constant 10000 : i32
      %mul3A_98 = arith.muli %arg0, %mul3A_97 : i32
      %mul3A_99 = arith.constant 1000 : i32
      %mul3A_100 = arith.muli %arg1, %mul3A_99 : i32
      %add3A_101 = arith.addi %mul3A_98, %mul3A_100 : i32
      %mul3A_102 = arith.constant 1000 : i32
      %mul3A_103 = arith.muli %arg1, %mul3A_102 : i32
      "tpu.region"() ({
        %run_scoped3A = tpu.sem_alloc : memref<!tpu.dma_semaphore, #tpu.memory_space<semaphore_mem>>
        %dma_start3A_104 = arith.constant 0 : i32
        %dma_start3A_105 = tpu.memref_slice %arg5[%add3A_101, %dma_start3A_104] : memref<20000x128xf32, #tpu.memory_space<hbm>> -> memref<1000x128xf32, #tpu.memory_space<hbm>>
        %dma_start3A_106 = arith.constant 0 : i32
        %dma_start3A_107 = tpu.memref_slice %arg6[%mul3A_103, %dma_start3A_106] : memref<10000x128xf32, #tpu.memory_space<vmem_shared>> -> memref<1000x128xf32, #tpu.memory_space<vmem_shared>>
        tpu.enqueue_dma source(%dma_start3A_107 : memref<1000x128xf32, #tpu.memory_space<vmem_shared>>) target(%dma_start3A_105 : memref<1000x128xf32, #tpu.memory_space<hbm>>) target_semaphore(%run_scoped3A : memref<!tpu.dma_semaphore, #tpu.memory_space<semaphore_mem>>)
        %dma_wait3A_108 = arith.constant 0 : i32
        %dma_wait3A_109 = tpu.memref_slice %arg5[%add3A_101, %dma_wait3A_108] : memref<20000x128xf32, #tpu.memory_space<hbm>> -> memref<1000x128xf32, #tpu.memory_space<hbm>>
        %dma_wait3A_110 = arith.constant 0 : i32
        %dma_wait3A_111 = tpu.memref_slice %arg6[%mul3A_103, %dma_wait3A_110] : memref<10000x128xf32, #tpu.memory_space<vmem_shared>> -> memref<1000x128xf32, #tpu.memory_space<vmem_shared>>
        tpu.wait_dma2 semaphore(%run_scoped3A : memref<!tpu.dma_semaphore, #tpu.memory_space<semaphore_mem>>) src(%dma_wait3A_111 : memref<1000x128xf32, #tpu.memory_space<vmem_shared>>) dst(%dma_wait3A_109 : memref<1000x128xf32, #tpu.memory_space<hbm>>)
        tpu.yield
      }) : () -> ()
    } else {
    }
    return
  }
}

module attributes {stable_mosaic.version = 14 : i64} {
  func.func @_add_block(%arg0: i32, %arg1: memref<5000x128xf32, #tpu.memory_space<vmem>>, %arg2: memref<5000x128xf32, #tpu.memory_space<vmem>>, %arg3: memref<5000x128xf32, #tpu.memory_space<vmem>>) attributes {dimension_semantics = [#tpu.dimension_semantics<arbitrary>], iteration_bounds = array<i64: 2>, scalar_prefetch = 0 : i64, scratch_operands = 0 : i64, tpu.core_type = #tpu.core_type<tc>, window_params = [{transform_indices = @transform_0, window_bounds = array<i64: 5000, 128>}, {transform_indices = @transform_1, window_bounds = array<i64: 5000, 128>}, {transform_indices = @transform_2, window_bounds = array<i64: 5000, 128>}]} {
    %get3A = arith.constant 0 : index
    %get3A_0 = arith.constant 0 : index
    %get3A_1 = vector.load %arg1[%get3A, %get3A_0] : memref<5000x128xf32, #tpu.memory_space<vmem>>, vector<5000x128xf32>
    %get3A_2 = arith.constant 0 : index
    %get3A_3 = arith.constant 0 : index
    %get3A_4 = vector.load %arg2[%get3A_2, %get3A_3] : memref<5000x128xf32, #tpu.memory_space<vmem>>, vector<5000x128xf32>
    %add3A = arith.addf %get3A_1, %get3A_4 : vector<5000x128xf32>
    %swap3A = arith.constant 0 : index
    %swap3A_5 = arith.constant 0 : index
    %swap3A_6 = vector.load %arg3[%swap3A, %swap3A_5] : memref<5000x128xf32, #tpu.memory_space<vmem>>, vector<5000x128xf32>
    tpu.vector_store %arg3[%swap3A, %swap3A_5], %add3A {strides = array<i32>} : memref<5000x128xf32, #tpu.memory_space<vmem>>, vector<5000x128xf32>,
    return
  }
  func.func @transform_0(%arg0: i32) -> (i32, i32) {
    %c0_i32 = arith.constant 0 : i32
    %c0_i32_0 = arith.constant 0 : i32
    return %arg0, %c0_i32 : i32, i32
  }
  func.func @transform_1(%arg0: i32) -> (i32, i32) {
    %add3A = arith.constant 2 : i32
    %add3A_0 = arith.addi %arg0, %add3A : i32
    %c0_i32 = arith.constant 0 : i32
    %c0_i32_1 = arith.constant 0 : i32
    return %add3A_0, %c0_i32 : i32, i32
  }
  func.func @transform_2(%arg0: i32) -> (i32, i32) {
    %c0_i32 = arith.constant 0 : i32
    %c0_i32_0 = arith.constant 0 : i32
    return %arg0, %c0_i32 : i32, i32
  }
}

</mosaic_0001>

<sc_bundles>
// kernel: kernel.4.cloned.1.call-start
scs
__scs_entry_jumppad:
0x0: {  	(pc) =	sbr.rel $0x88, $3  }
0x1: {  	(tag) =	ssettag $0x0;
	lr =	simm.s32 $0x1  }
0x2: {  	[smem:$0x3F9F] =	sst lr;
	_ =	strace $0xD0000000  }
0x3: {  	_ = 	snop  }
0x4: {  	_ = 	snop  }
0x5: {  	_ = 	snop  }
0x6: {  	_ = 	snop  }
0x7: {  	_ = 	snop  }
__scs_overlays_trampoline_lowered:
0x8: {  	[smem:$0x3FAE] =	sst s0  }
0x9: {  	[smem:$0x3FAF] =	sst s1  }
0xa: {  	[smem:$0x3FB0] =	sst s2  }
0xb: {  	[smem:$0x3FB1] =	sst s3  }
0xc: {  	[smem:$0x3FB2] =	sst s4  }
0xd: {  	[smem:$0x3FB3] =	sst s5  }
0xe: {  	[smem:$0x3FB4] =	sst s6  }
0xf: {  	[smem:$0x3FB5] =	sst s7  }
0x10: {  	[smem:$0x3FB6] =	sst s8  }
0x11: {  	[smem:$0x3FB7] =	sst s9;
	s0 =	simm.s32 @!p0 $0x0  }
0x12: {  	s1 =	sld [smem:$0x3F9D];
	s0 =	simm.s32 @p0 $0x1  }
0x13: {  	[smem:$0x3FB8] =	sst s0;
	s0 =	simm.s32 @!p1 $0x0  }
0x14: {  	s2 =	sld [smem:$0x3F9C];
	s0 =	simm.s32 @p1 $0x1  }
0x15: {  	[smem:$0x3FB9] =	sst s0;
	s0 =	simm.s32 @!p2 $0x0  }
0x16: {  	s3 =	sld [smem:$0x3FDB];
	s0 =	simm.s32 @p2 $0x1  }
0x17: {  	s4 =	simm.s32 $0x1BF5;
	[smem:$0x3FBB] =	sst s0  }
0x18: {  	s0 =	sld [smem:$0x3F9E];
	_ =	swait.ge [sflag:s4], $0x0  }
0x19: {  	s7 =	sld [smem:$0x3F9F]  }
0x1a: {  	s8 =	sadd.s32 $0xFFFFE003, lr  }
0x1b: {  	s9 =	sadd.s32 $0xFFFFFEF7, lr;
	s5 =	simm.s32 $0xFFFFFFFF;
	p2 =	slt.u32 s8, $0xFFFFF086  }
0x1c: {  	p1 =	slt.u32 s9, $0xF7A;
	s5 =	simm.s32 @!p2 $0x0  }
0x1d: {  	s5 =	simm.s32 @p1 $0x1;
	p0 =	seq.s32 s7, s2  }
0x1e: {  	s7 =	smul.u32 @!p0 $0xF7A, s2;
	p2 =	seq.s32 @!p0 s5, $0x0  }
0x1f: {  	s9 =	smul.u32 $0xF7A, s1;
	s8 =	simm.s32 @!p0 $0x1BF5;
	p2 =	por !p2, p0  }
0x20: {  	[sflag:s8] =	ssyncset.s32 @!p0 $0xFFFFF086;
	s6 =	sadd.s32 @!p0 s3, s7;
	s7 =	simm.s32 @!p0 $0x108  }
0x21: {  	s3 =	sadd.s32 s3, s9;
	s6 =	sadd.s32 @!p0 $0x88, s6;
	s7 =	simm.s32 @p2 $0x1082  }
0x22: {  	[simem:s7], [sflag:s8] =	dma.local @!p0 [hbm:s6], $0xF7A  }
0x23: {  	s9 =	sor.u32 $0xD0000000, s2;
	s6 =	simm.s32 $0x108;
	_ =	swait.ge @!p0 [sflag:s8], $0x0  }
0x24: {  	s3 =	sadd.s32 $0x88, s3;
	s6 =	simm.s32 @!p1 $0x1082;
	[sflag:s4] =	ssyncset.s32 $0xFFFFF086  }
0x25: {  	[simem:s6], [sflag:s4] =	dma.local [hbm:s3], $0xF7A  }
0x26: {  	[smem:$0x3F9F] =	sst s1;
	(tag) =	ssettag s2;
	_ =	strace s9  }
0x27: {  	s1 =	sld [smem:$0x3FAF]  }
0x28: {  	s2 =	sld [smem:$0x3FB0]  }
0x29: {  	s4 =	sld [smem:$0x3FB2]  }
0x2a: {  	p0 =	seq.s32 s5, $0x0;
	s5 =	sld [smem:$0x3FB3]  }
0x2b: {  	s6 =	sld [smem:$0x3FB4]  }
0x2c: {  	s7 =	sld [smem:$0x3FB5]  }
0x2d: {  	s3 =	simm.s32 $0x108;
	s8 =	sld [smem:$0x3FB6]  }
0x2e: {  	s3 =	simm.s32 @!p0 $0x1082;
	s9 =	sld [smem:$0x3FB7]  }
0x2f: {  	lr =	sadd.s32 s0, s3;
	s0 =	sld [smem:$0x3FAE]  }
0x30: {  	s3 =	sld [smem:$0x3FB1]  }
0x31: {  	[smem:$0x3FBA] =	sst s10  }
0x32: {  	s10 =	sld [smem:$0x3FB8];
	_ =	sdelay $0x3  }
0x33: {  	p0 =	seq.s32 s10, $0x1;
	s10 =	sld [smem:$0x3FBA];
	_ =	sdelay $0x3  }
0x34: {  	[smem:$0x3FBA] =	sst s10  }
0x35: {  	s10 =	sld [smem:$0x3FB9];
	_ =	sdelay $0x3  }
0x36: {  	p1 =	seq.s32 s10, $0x1;
	s10 =	sld [smem:$0x3FBA];
	_ =	sdelay $0x3  }
0x37: {  	[smem:$0x3FBA] =	sst s10  }
0x38: {  	s10 =	sld [smem:$0x3FBB]  }
0x39: {  	_ = 	snop;
	(pc) =	sbr.ind lr, $3  }
0x3a: {  	_ = 	snop  }
0x3b: {  	_ = 	snop  }
0x3c: {  	p2 =	seq.s32 s10, $0x1;
	s10 =	sld [smem:$0x3FBA]  }
0x3d: {  	_ =	shalt  }
0x3e: {  	_ =	shalt  }
0x3f: {  	_ =	shalt  }
0x40: {  	_ =	shalt  }
0x41: {  	_ =	shalt  }
0x42: {  	_ =	shalt  }
0x43: {  	_ =	shalt  }
0x44: {  	_ =	shalt  }
0x45: {  	_ =	shalt  }
0x46: {  	_ =	shalt  }
0x47: {  	_ =	shalt  }
0x48: {  	_ =	shalt  }
0x49: {  	_ =	shalt  }
0x4a: {  	_ =	shalt  }
0x4b: {  	_ =	shalt  }
0x4c: {  	_ =	shalt  }
0x4d: {  	_ =	shalt  }
0x4e: {  	_ =	shalt  }
0x4f: {  	_ =	shalt  }
0x50: {  	_ =	shalt  }
0x51: {  	_ =	shalt  }
0x52: {  	_ =	shalt  }
0x53: {  	_ =	shalt  }
0x54: {  	_ =	shalt  }
0x55: {  	_ =	shalt  }
0x56: {  	_ =	shalt  }
0x57: {  	_ =	shalt  }
0x58: {  	_ =	shalt  }
0x59: {  	_ =	shalt  }
0x5a: {  	_ =	shalt  }
0x5b: {  	_ =	shalt  }
0x5c: {  	_ =	shalt  }
0x5d: {  	_ =	shalt  }
0x5e: {  	_ =	shalt  }
0x5f: {  	_ =	shalt  }
0x60: {  	_ =	shalt  }
0x61: {  	_ =	shalt  }
0x62: {  	_ =	shalt  }
0x63: {  	_ =	shalt  }
0x64: {  	_ =	shalt  }
0x65: {  	_ =	shalt  }
0x66: {  	_ =	shalt  }
0x67: {  	_ =	shalt  }
0x68: {  	_ =	shalt  }
0x69: {  	_ =	shalt  }
0x6a: {  	_ =	shalt  }
0x6b: {  	_ =	shalt  }
0x6c: {  	_ =	shalt  }
0x6d: {  	_ =	shalt  }
0x6e: {  	_ =	shalt  }
0x6f: {  	_ =	shalt  }
0x70: {  	_ =	shalt  }
0x71: {  	_ =	shalt  }
0x72: {  	_ =	shalt  }
0x73: {  	_ =	shalt  }
0x74: {  	_ =	shalt  }
0x75: {  	_ =	shalt  }
0x76: {  	_ =	shalt  }
0x77: {  	_ =	shalt  }
0x78: {  	_ =	shalt  }
0x79: {  	_ =	shalt  }
0x7a: {  	_ =	shalt  }
0x7b: {  	_ =	shalt  }
0x7c: {  	_ =	shalt  }
0x7d: {  	_ =	shalt  }
0x7e: {  	_ =	shalt  }
0x7f: {  	_ =	shalt  }
0x80: {  	_ =	shalt  }
0x81: {  	_ =	shalt  }
0x82: {  	_ =	shalt  }
0x83: {  	_ =	shalt  }
0x84: {  	_ =	shalt  }
0x85: {  	_ =	shalt  }
0x86: {  	_ =	shalt  }
0x87: {  	_ =	shalt  }
.Lfunc_end0:
.L_simem_size_0:
called_computation_lowered:
.L_overlay_start_0:
0x88: {  	s2 =	sld [smem:$0x3FD9]  }
0x89: {  	s3 =	sld [smem:$0x3FFE];
	_ =	sdelay $0x1  }
0x8a: {  	s1 =	srdreg.scid  }
0x8b: {  	s0 =	sand.u32 $0x1, s1  }
0x8c: {  	s17 =	sshll.u32 s0, $0xA;
	s2 =	sadd.s32 s3, s2  }
0x8d: {  	s2 =	sadd.s32 s2, s17  }
0x8e: {  	[smem:$0x3FC6] =	sst s2  }
0x8f: {  	_ = 	snop  }
0x90: {  	s2 =	sld [smem:$0x3FC9]  }
0x91: {  	s18 =	sld [smem:$0x3FC8]  }
0x92: {  	s4 =	sld [smem:$0x3FD0];
	(tm) =	ssettm $0x1  }
0x93: {  	s5 =	sld [smem:$0x3FFB];
	_ =	sdelay $0x3  }
0x94: {  	_ =	strace s5  }
0x95: {  	s5 =	sld [smem:$0x3FFC];
	_ =	sdelay $0x3  }
0x96: {  	_ =	strace s5  }
0x97: {  	s5 =	sld [smem:$0x3FFD];
	_ =	sdelay $0x3  }
0x98: {  	_ =	strace s5  }
0x99: {  	_ =	strace $0x8FFFFFFF  }
0x9a: {  	s19 =	sld [smem:$0x3FDB];
	_ =	sdelay $0x1  }
0x9b: {  	s6 =	simm.s32 $_scs_section_size  }
0x9c: {  	s7 =	simm.s32 $_size__tile_overlayer_lowered;
	s8 =	simm.s32 $_tile_overlayer_lowered  }
0x9d: {  	s22 =	simm.s32 $0x1BFF;
	s21 =	sshll.u32 s8, $0x1;
	s5 =	sadd.s32 s6, s19  }
0x9e: {  	s9 =	simm.s32 $0x0;
	s20 =	sshll.u32 s7, $0x1;
	s7 =	sadd.s32 s21, s5  }
0x9f: {  	[timem:s9], [sflag:s22] =	dma.local [hbm:s7], s20  }
0xa0: {  	_ =	swait.ge [sflag:s22], s20  }
0xa1: {  	s6 =	ssub.s32 $0x0, s20;
	[sflag:s22] =	ssyncset.done $0x0  }
0xa2: {  	[sflag:s22] =	ssyncadd.s32 s6;
	_ =	sdelay $0x1  }
0xa3: {  	s23 =	simm.s32 $0x1B8B  }
0xa4: {  	_ =	swait.ge [sflag:s23], $0x1  }
0xa5: {  	[sflag:s23] =	ssyncset.done $0x0  }
0xa6: {  	s25 =	simm.s32 $0x1B8E;
	s24 =	sld [smem:$0x3FFE];
	[sflag:s23] =	ssyncadd.s32 $0xFFFFFFFF  }
0xa7: {  	s26 =	simm.s32 $execute0_lowered;
	[smem:$0x3FD2] =	sst s25  }
0xa8: {  	s7 =	sshll.u32 s26, $0x1;
	_ =	strace $0x80000046;
	[dreg:$0x1] =	wrdreg $0xFFFFFFFF  }
0xa9: {  	s28 =	simm.s32 $_size_execute0_lowered;
	s5 =	sadd.s32 s5, s7;
	[dreg:$0x0] =	wrdreg $0x0  }
0xaa: {  	s7 =	sshll.u32 s28, $0x1;
	[dreg:$0x2] =	wrdreg s5  }
0xab: {  	[dreg:$0x3] =	wrdreg s7  }
0xac: {  	[dreg:$0x4] =	wrdreg $0xC0  }
0xad: {  	_ =	task [dreg:s9], $0x5FFFF  }
0xae: {  	[dreg:$0x1] =	wrdreg $0xFFFFFFFF  }
0xaf: {  	[dreg:$0x0] =	wrdreg $0x60  }
0xb0: {  	[dreg:$0x2] =	wrdreg s2  }
0xb1: {  	[dreg:$0x3] =	wrdreg s18  }
0xb2: {  	[dreg:$0x4] =	wrdreg s4  }
0xb3: {  	[dreg:$0x5] =	wrdreg s24  }
0xb4: {  	[dreg:$0x6] =	wrdreg $0x0  }
0xb5: {  	[dreg:$0x7] =	wrdreg $0x9  }
0xb6: {  	_ =	task.clear_ibuf [dreg:s9], $0x8FFFF;
	_ =	strace $0x90000046  }
0xb7: {  	s29 =	simm.s32 $0x9;
	_ =	strace $0x80000048  }
0xb8: {  	_ =	swait.ge [sflag:s29], $0x1  }
0xb9: {  	[sflag:s29] =	ssyncadd.s32 $0xFFFFFFFF  }
0xba: {  	_ =	strace $0x90000048  }
0xbb: {  	_ =	sfence  }
0xbc: {  	s30 =	sld [smem:$0x0];
	_ =	sdelay $0x2  }
0xbd: {  	s31 =	sshll.u32 s1, $0xD;
	s1 =	sshrl.u32 s1, $0x2  }
0xbe: {  	s3 =	sand.u32 $0x4000, s31;
	s1 =	sadd.s32 s1, s30  }
0xbf: {  	s0 =	sor.u32 s3, s0;
	s1 =	sshll.u32 s1, $0x11  }
0xc0: {  	s0 =	sor.u32 s1, s0  }
0xc1: {  	s0 =	sadd.s32 $0x8F2B, s0  }
0xc2: {  	[sflag:s0] =	ssyncadd.remote.s32 $0x1  }
0xc3: {  	_ =	sfence.sel $0xFFFF  }
0xc4: {  	[dreg:$0x0] =	wrdreg $0xFFFFFFFF;
	(pc) =	sbr.abs _section_cstart, $3  }
0xc5: {  	[dreg:$0x1] =	wrdreg $0xFFFFFFFF  }
0xc6: {  	_ =	task.clear_ibuf [dreg:s9], $0x2FFFF;
	_ =	strace $0x9FFFFFFF  }
0xc7: {  	(tm) =	ssettm $0x7FFFFFFF  }
tec
execute0_lowered:
.L_overlay_start_1:
0x0: {  	(tag) =	ssettag $0x1  }
0x1: {  	s0 =	rddreg [dreg:$0x0]  }
0x2: {  	s12 =	rddreg [dreg:$0x1]  }
0x3: {  	s1 =	rddreg [dreg:$0x3];
	s13 =	stileid.u32  }
0x4: {  	s3 =	rddreg [dreg:$0x4];
	s6 =	smul.u32 $0x3E80, s13  }
0x5: {  	s2 =	srdreg.scid;
	s29 =	smul.u32 $0x2710, s13  }
0x6: {  	s5 =	simm.s32 $0x0;
	s2 =	sand.u32 $0x1, s2;
	s11 =	smul.u32 $0x7D000, s13  }
0x7: {  	[smem:$0x7FF] =	sst s5;
	s4 =	smul.u32 $0x27100, s2;
	s7 =	sshll.u32 s2, $0x4  }
0x8: {  	s8 =	ssub.s32 $0x2, s2;
	s2 =	smul.u32 $0x271000, s2;
	s7 =	sor.u32 s13, s7  }
0x9: {  	p0 =	sgt.u32 s13, $0x9;
	_ =	strace $0x80000047;
	s9 =	smul.u32 $0x2710, s7  }
0xa: {  	s14 =	sshrl.u32 s8, $0x1;
	s6 =	sadd.s32 s6, s4;
	s7 =	smul.u32 $0x27100, s7  }
0xb: {  	s4 =	sadd.s32 s29, s4;
	s1 =	sadd.s32 s6, s1;
	s6 =	ssub.s32 s8, s14  }
0xc: {  	s14 =	sshrl.u32 s11, $0x2;
	s11 =	simm.s32 $0x13A80;
	s15 =	sshrl.u32 s9, $0x3  }
0xd: {  	s10 =	sadd.s32 $0x28, s9;
	s7 =	sadd.s32 s0, s7;
	s18 =	sadd.s32 $0x50, s9  }
0xe: {  	s21 =	sadd.s32 $0x78, s9;
	s23 =	sadd.s32 $0xA0, s9;
	s26 =	sadd.s32 $0xC8, s9  }
0xf: {  	s9 =	sadd.s32 $0xF0, s9;
	s1 =	sadd.s32 $0x600, s1;
	s8 =	sadd.s32 s12, s15  }
0x10: {  	[dreg:$0x7] =	wrdreg s7;
	s16 =	sshrl.u32 s10, $0x3;
	s17 =	sshll.u32 s10, $0x4  }
0x11: {  	s19 =	sshrl.u32 s18, $0x3;
	s22 =	sshrl.u32 s21, $0x3;
	s24 =	sshrl.u32 s23, $0x3  }
0x12: {  	s25 =	sshll.u32 s23, $0x4;
	s28 =	sshrl.u32 s26, $0x3;
	s30 =	sshll.u32 s9, $0x4  }
0x13: {  	s31 =	sshrl.u32 s9, $0x3;
	s15 =	smul.u32 $0x27100, s13;
	[dreg:$0x15] =	wrdreg s1  }
0x14: {  	s23 =	sadd.s32 $0x230, s4;
	s1 =	simm.s32 $0x3;
	s13 =	simm.s32 $0x7  }
0x15: {  	[dreg:$0x6] =	wrdreg s8;
	s7 =	sadd.s32 s12, s16;
	s8 =	sshll.u32 s18, $0x4  }
0x16: {  	s10 =	sadd.s32 s0, s30;
	s16 =	sadd.s32 s12, s31;
	[dreg:$0x8] =	wrdreg s7  }
0x17: {  	s18 =	sadd.s32 $0x140, s4;
	s30 =	sadd.s32 $0x190, s4;
	[dreg:$0x11] =	wrdreg s10  }
0x18: {  	s31 =	sadd.s32 $0x168, s4;
	s7 =	sadd.s32 s0, s17;
	[dreg:$0x13] =	wrdreg s16  }
0x19: {  	s20 =	sadd.s32 s0, s8;
	s8 =	sadd.s32 s12, s22;
	[dreg:$0x1e] =	wrdreg s31  }
0x1a: {  	s17 =	sadd.s32 s14, s3;
	s16 =	simm.s32 $0x1B500;
	[dreg:$0x9] =	wrdreg s7  }
0x1b: {  	s14 =	simm.s32 $0xF;
	s10 =	simm.s32 $0x8;
	[dreg:$0xb] =	wrdreg s20  }
0x1c: {  	s7 =	sadd.s32 s12, s19;
	[dreg:$0xc] =	wrdreg s8;
	s8 =	sshll.u32 s26, $0x4  }
0x1d: {  	[dreg:$0x14] =	wrdreg s17;
	s19 =	smax.u32 s6, $0x1;
	s20 =	sadd.s32 $0x118, s4  }
0x1e: {  	s26 =	sadd.s32 $0x1E0, s4;
	s17 =	simm.s32 $0x1;
	[dreg:$0xa] =	wrdreg s7  }
0x1f: {  	s7 =	sshll.u32 s21, $0x4;
	s8 =	sadd.s32 s0, s8;
	[dreg:$0x16] =	wrdreg s19  }
0x20: {  	s6 =	simm.s32 $0xE;
	s7 =	sadd.s32 s0, s7;
	[dreg:$0x10] =	wrdreg s8  }
0x21: {  	s21 =	sadd.s32 $0x258, s4;
	[dreg:$0xd] =	wrdreg s7;
	s7 =	sadd.s32 s12, s24  }
0x22: {  	s19 =	simm.s32 $0x0;
	s24 =	sshrl.u32 s23, $0x3;
	[dreg:$0xe] =	wrdreg s7  }
0x23: {  	s8 =	simm.s32 $0x9;
	s7 =	sadd.s32 s0, s25;
	[dreg:$0x1a] =	wrdreg s24  }
0x24: {  	s0 =	sadd.s32 s2, s0;
	s25 =	sadd.s32 $0x208, s4;
	[dreg:$0xf] =	wrdreg s7  }
0x25: {  	s7 =	sadd.s32 s12, s28;
	s22 =	sadd.s32 s15, s0;
	s0 =	sshrl.u32 s18, $0x3  }
0x26: {  	s28 =	sadd.s32 $0x1B8, s4;
	s12 =	simm.s32 $0x18D00;
	[dreg:$0x12] =	wrdreg s7  }
0x27: {  	s15 =	simm.s32 $0x13B80;
	[dreg:$0x17] =	wrdreg s0;
	s0 =	sshrl.u32 s20, $0x3  }
.Ltmp0:
0x28: {  	s29 =	sshrl.u32 s28, $0x3;
	[dreg:$0x18] =	wrdreg s0;
	(pc) =	sbr.rel .LBB2_1-.Ltmp0, $4  }
0x29: {  	s18 =	simm.s32 $0x28;
	s0 =	sshrl.u32 s21, $0x3;
	[dreg:$0x1d] =	wrdreg s29  }
0x2a: {  	s4 =	simm.s32 $0x5;
	[dreg:$0x19] =	wrdreg s0;
	s0 =	sshrl.u32 s25, $0x3  }
0x2b: {  	s7 =	simm.s32 $0x10;
	[dreg:$0x1b] =	wrdreg s0;
	s0 =	sshrl.u32 s26, $0x3  }
0x2c: {  	s21 =	simm.s32 $0x2;
	[dreg:$0x1c] =	wrdreg s0;
	s0 =	sshrl.u32 s30, $0x3  }
.LBB2_12:
0x2d: {  	s2 =	simm.s32 $0xA  }
0x2e: {  	_ =	swait.ge [sflag:s2], $0x1400  }
0x2f: {  	[sflag:s2] =	ssyncset.done $0x0  }
0x30: {  	s24 =	simm.s32 $0xB;
	[sflag:s2] =	ssyncadd.s32 $0xFFFFEC00  }
0x31: {  	_ =	swait.ge [sflag:s24], $0x1400  }
0x32: {  	[sflag:s24] =	ssyncset.done $0x0  }
0x33: {  	s25 =	simm.s32 $0xC;
	[sflag:s24] =	ssyncadd.s32 $0xFFFFEC00  }
0x34: {  	_ =	swait.ge [sflag:s25], $0x1400  }
0x35: {  	[sflag:s25] =	ssyncset.done $0x0  }
0x36: {  	s26 =	simm.s32 $0xD;
	[sflag:s25] =	ssyncadd.s32 $0xFFFFEC00  }
0x37: {  	_ =	swait.ge [sflag:s26], $0x1400  }
0x38: {  	[sflag:s26] =	ssyncset.done $0x0  }
0x39: {  	[sflag:s26] =	ssyncadd.s32 $0xFFFFEC00  }
0x3a: {  	_ =	swait.ge [sflag:s6], $0x1400  }
0x3b: {  	[sflag:s6] =	ssyncset.done $0x0  }
0x3c: {  	[sflag:s6] =	ssyncadd.s32 $0xFFFFEC00  }
0x3d: {  	_ =	swait.ge [sflag:s14], $0x1400  }
0x3e: {  	[sflag:s14] =	ssyncset.done $0x0  }
0x3f: {  	[sflag:s14] =	ssyncadd.s32 $0xFFFFEC00  }
0x40: {  	_ =	swait.ge [sflag:s7], $0x1400  }
0x41: {  	[sflag:s7] =	ssyncset.done $0x0  }
0x42: {  	s28 =	simm.s32 $0x11;
	[sflag:s7] =	ssyncadd.s32 $0xFFFFEC00  }
0x43: {  	_ =	swait.ge [sflag:s28], $0x1400  }
0x44: {  	[sflag:s28] =	ssyncset.done $0x0  }
0x45: {  	s29 =	simm.s32 $0x12;
	[sflag:s28] =	ssyncadd.s32 $0xFFFFEC00  }
0x46: {  	_ =	swait.ge [sflag:s29], $0x1400  }
0x47: {  	[sflag:s29] =	ssyncset.done $0x0  }
0x48: {  	[sflag:s29] =	ssyncadd.s32 $0xFFFFEC00  }
0x49: {  	[bflag:$0x0] =	sbarrier.arrive $0xFFFF  }
0x4a: {  	s9 =	sld [smem:$0x7FC]  }
0x4b: {  	s19 =	sld [smem:$0x7FD];
	_ =	sdelay $0x1  }
0x4c: {  	s2 =	rddreg [dreg:$0x15]  }
0x4d: {  	[hbm:s2], [sflag:s9] =	dma.local @!p0 [spmem:s19], $0x3E80  }
0x4e: {  	s2 =	simm.s32 @!p0 $0x13  }
0x4f: {  	_ =	swait.ge @!p0 [sflag:s2], $0x3E80  }
0x50: {  	s30 =	rddreg [dreg:$0x1f]  }
0x51: {  	s31 =	rddreg [dreg:$0x16];
	s19 =	sadd.s32 $0x1, s30  }
0x52: {  	p1 =	sne.s32 s19, s31  }
.Ltmp1:
0x53: {  	_ = 	snop;
	(pc) =	sbr.rel @!p1 .LBB2_13-.Ltmp1, $3  }
0x54: {  	_ =	sdelay $0x1  }
0x55: {  	[sflag:s2] =	ssyncset.done @!p0 $0x0  }
0x56: {  	[sflag:s2] =	ssyncadd.s32 @!p0 $0xFFFFC180  }
.LBB2_1:
0x57: {  	[dreg:$0x1f] =	wrdreg s19  }
0x58: {  	s2 =	rddreg [dreg:$0x6]  }
0x59: {  	s30 =	rddreg [dreg:$0x7]  }
0x5a: {  	s19 =	rddreg [dreg:$0x8]  }
0x5b: {  	s23 =	rddreg [dreg:$0x9]  }
0x5c: {  	s9 =	simm.s32 $0x13880;
	s25 =	rddreg [dreg:$0xa]  }
0x5d: {  	[tilespmem:s9], [sflag:$0x1] =	stream.linear.gather [hbm4b:s2+s5], $0x28, $0x38;
	[tilespmem:$0x1F100] =	vst v63  }
0x5e: {  	s31 =	simm.s32 $0x13D00;
	s28 =	rddreg [dreg:$0xb];
	s2 =	stileid.u32  }
0x5f: {  	[tilespmem:s31], [sflag:$0x1] =	stream.linear.gather [hbm4b:s30+s5], $0x1400, $0x38;
	[tilespmem:$0x1F100] =	vst v63  }
0x60: {  	s20 =	simm.s32 $0x13900;
	s9 =	sshll.u32 @!p0 s2, $0x6;
	s2 =	rddreg [dreg:$0x14]  }
0x61: {  	[tilespmem:s20], [sflag:$0x2] =	stream.linear.gather [hbm4b:s19+s5], $0x28, $0x38;
	[tilespmem:$0x1F100] =	vst v63  }
0x62: {  	s24 =	simm.s32 $0x15100;
	s30 =	rddreg [dreg:$0xc];
	s9 =	sor.u32 @!p0 $0x1C13, s9  }
0x63: {  	[tilespmem:s24], [sflag:$0x2] =	stream.linear.gather [hbm4b:s23+s5], $0x1400, $0x38;
	[tilespmem:$0x1F100] =	vst v63  }
0x64: {  	s26 =	simm.s32 $0x13980;
	[smem:$0x7FC] =	sst s9  }
0x65: {  	[tilespmem:s26], [sflag:$0x3] =	stream.linear.gather [hbm4b:s25+s5], $0x28, $0x38;
	[tilespmem:$0x1F100] =	vst v63  }
0x66: {  	s29 =	simm.s32 $0x16500;
	s19 =	rddreg [dreg:$0xd]  }
0x67: {  	[tilespmem:s29], [sflag:$0x3] =	stream.linear.gather [hbm4b:s28+s5], $0x1400, $0x38;
	[tilespmem:$0x1F100] =	vst v63  }
0x68: {  	s31 =	simm.s32 $0x13A00;
	s23 =	rddreg [dreg:$0xe]  }
0x69: {  	[tilespmem:s31], [sflag:$0x4] =	stream.linear.gather [hbm4b:s30+s5], $0x28, $0x38;
	[tilespmem:$0x1F100] =	vst v63  }
0x6a: {  	s20 =	simm.s32 $0x17900;
	s24 =	rddreg [dreg:$0xf]  }
0x6b: {  	[tilespmem:s20], [sflag:$0x4] =	stream.linear.gather [hbm4b:s19+s5], $0x1400, $0x38;
	[tilespmem:$0x1F100] =	vst v63  }
0x6c: {  	s25 =	rddreg [dreg:$0x12]  }
0x6d: {  	[tilespmem:s11], [sflag:$0x5] =	stream.linear.gather [hbm4b:s23+s5], $0x28, $0x38;
	[tilespmem:$0x1F100] =	vst v63  }
0x6e: {  	s28 =	rddreg [dreg:$0x10]  }
0x6f: {  	[tilespmem:s12], [sflag:$0x5] =	stream.linear.gather [hbm4b:s24+s5], $0x1400, $0x38;
	[tilespmem:$0x1F100] =	vst v63  }
0x70: {  	s26 =	simm.s32 $0x13B00;
	s30 =	rddreg [dreg:$0x13]  }
0x71: {  	[tilespmem:s26], [sflag:$0x6] =	stream.linear.gather [hbm4b:s25+s5], $0x28, $0x38;
	[tilespmem:$0x1F100] =	vst v63  }
0x72: {  	s29 =	simm.s32 $0x1A100;
	s31 =	rddreg [dreg:$0x11]  }
0x73: {  	[tilespmem:s29], [sflag:$0x6] =	stream.linear.gather [hbm4b:s28+s5], $0x1400, $0x38;
	[tilespmem:$0x1F100] =	vst v63  }
0x74: {  	s19 =	sshrl.u32 @!p0 s2, $0x3;
	s2 =	rddreg [dreg:$0x2]  }
0x75: {  	[tilespmem:s15], [sflag:$0x7] =	stream.linear.gather [hbm4b:s30+s5], $0x28, $0x38;
	[tilespmem:$0x1F100] =	vst v63  }
0x76: {  	[smem:$0x7FD] =	sst s19  }
0x77: {  	[tilespmem:s16], [sflag:$0x7] =	stream.linear.gather [hbm4b:s31+s5], $0x1400, $0x38;
	[tilespmem:$0x1F100] =	vst v63  }
0x78: {  	[spmem:s19], [sflag:s9] =	dma.local @!p0 [hbm:s2], $0x3E80  }
0x79: {  	s9 =	simm.s32 @!p0 $0x13  }
0x7a: {  	_ =	swait.ge @!p0 [sflag:s9], $0x3E80  }
0x7b: {  	[sflag:s9] =	ssyncset.done @!p0 $0x0  }
0x7c: {  	[sflag:s9] =	ssyncadd.s32 @!p0 $0xFFFFC180  }
0x7d: {  	[bflag:$0x0] =	sbarrier.arrive $0xFFFF  }
0x7e: {  	s9 =	rddreg [dreg:$0x1e]  }
0x7f: {  	s24 =	simm.s32 $0x0;
	s19 =	simm.s32 $0x0;
	s25 =	rddreg [dreg:$0x1]  }
.LBB2_2:
0x80: {  	_ =	swait.ge [sflag:s17], $0x28  }
0x81: {  	p1 =	seq.s32 s19, $0x0;
	[sflag:s17] =	ssyncset.done $0x0  }
.Ltmp2:
0x82: {  	[sflag:s17] =	ssyncadd.s32 $0xFFFFFFD8;
	(pc) =	sbr.rel @p1 .LBB2_5-.Ltmp2, $4  }
0x83: {  	_ =	swait.ge [sflag:s17], $0x1400  }
0x84: {  	[sflag:s17] =	ssyncset.done $0x0  }
0x85: {  	s2 =	simm.s32 $0x13880;
	s20 =	simm.s32 $0x13D00;
	[sflag:s17] =	ssyncadd.s32 $0xFFFFEC00  }
0x86: {  	[spmem:s3] =	stream.indirect.scatter.add.f32 [tilespmem:s20], [sflag:$0xA], $0x80, s2, s18, $0xb8;
	[tilespmem:$0x1F100] =	vst v63  }
0x87: {  	p2 =	seq.s32 s19, $0x1B  }
.Ltmp3:
0x88: {  	_ = 	snop;
	(pc) =	sbr.rel @p2 .LBB2_6-.Ltmp3, $1  }
0x89: {  	_ =	sdelay $0x3  }
0x8a: {  	s2 =	simm.s32 $0x11  }
0x8b: {  	_ =	swait.ge [sflag:s2], $0x1400  }
0x8c: {  	[sflag:s2] =	ssyncset.done $0x0  }
0x8d: {  	[sflag:s2] =	ssyncadd.s32 $0xFFFFEC00  }
.LBB2_5:
0x8e: {  	s2 =	rddreg [dreg:$0x18]  }
0x8f: {  	s29 =	simm.s32 $0x13C00;
	s30 =	sadd.s32 s24, s22;
	s20 =	sadd.s32 s25, s2  }
0x90: {  	[tilespmem:s29], [sflag:$0x8] =	stream.linear.gather [hbm4b:s20+s5], $0x28, $0x38;
	[tilespmem:$0x1F100] =	vst v63  }
0x91: {  	s31 =	simm.s32 $0x1C900;
	s20 =	sadd.s32 $0x1180, s30  }
0x92: {  	[tilespmem:s31], [sflag:$0x8] =	stream.linear.gather [hbm4b:s20+s5], $0x1400, $0x38;
	[tilespmem:$0x1F100] =	vst v63  }
.LBB2_6:
0x93: {  	_ =	swait.ge [sflag:s21], $0x28  }
0x94: {  	[sflag:s21] =	ssyncset.done $0x0  }
.Ltmp4:
0x95: {  	[sflag:s21] =	ssyncadd.s32 $0xFFFFFFD8;
	(pc) =	sbr.rel @p1 .LBB2_9-.Ltmp4, $4  }
0x96: {  	_ =	swait.ge [sflag:s21], $0x1400  }
0x97: {  	[sflag:s21] =	ssyncset.done $0x0  }
0x98: {  	s2 =	simm.s32 $0x13900;
	s20 =	simm.s32 $0x15100;
	[sflag:s21] =	ssyncadd.s32 $0xFFFFEC00  }
0x99: {  	[spmem:s3] =	stream.indirect.scatter.add.f32 [tilespmem:s20], [sflag:$0xB], $0x80, s2, s18, $0xb8;
	[tilespmem:$0x1F100] =	vst v63  }
0x9a: {  	p1 =	seq.s32 s19, $0x1B  }
.Ltmp5:
0x9b: {  	_ = 	snop;
	(pc) =	sbr.rel @p1 .LBB2_10-.Ltmp5, $1  }
0x9c: {  	_ =	sdelay $0x3  }
0x9d: {  	s2 =	simm.s32 $0x12  }
0x9e: {  	_ =	swait.ge [sflag:s2], $0x1400  }
0x9f: {  	[sflag:s2] =	ssyncset.done $0x0  }
0xa0: {  	[sflag:s2] =	ssyncadd.s32 $0xFFFFEC00  }
.LBB2_9:
0xa1: {  	s2 =	rddreg [dreg:$0x17]  }
0xa2: {  	s29 =	simm.s32 $0x13C80;
	s30 =	sadd.s32 s24, s22;
	s20 =	sadd.s32 s25, s2  }
0xa3: {  	[tilespmem:s29], [sflag:$0x9] =	stream.linear.gather [hbm4b:s20+s5], $0x28, $0x38;
	[tilespmem:$0x1F100] =	vst v63  }
0xa4: {  	s31 =	simm.s32 $0x1DD00;
	s20 =	sadd.s32 $0x1400, s30  }
0xa5: {  	[tilespmem:s31], [sflag:$0x9] =	stream.linear.gather [hbm4b:s20+s5], $0x1400, $0x38;
	[tilespmem:$0x1F100] =	vst v63  }
.LBB2_10:
0xa6: {  	_ =	swait.ge [sflag:s1], $0x28  }
0xa7: {  	[sflag:s1] =	ssyncset.done $0x0  }
0xa8: {  	[sflag:s1] =	ssyncadd.s32 $0xFFFFFFD8  }
0xa9: {  	_ =	swait.ge [sflag:s1], $0x1400  }
0xaa: {  	s2 =	simm.s32 $0x13980;
	[sflag:s1] =	ssyncset.done $0x0  }
0xab: {  	s20 =	simm.s32 $0x16500;
	p1 =	seq.s32 s24, $0x25F80;
	[sflag:s1] =	ssyncadd.s32 $0xFFFFEC00  }
0xac: {  	[spmem:s3] =	stream.indirect.scatter.add.f32 [tilespmem:s20], [sflag:$0xC], $0x80, s2, s18, $0xb8;
	[tilespmem:$0x1F100] =	vst v63  }
0xad: {  	s20 =	simm.s32 @p1 $0x4  }
0xae: {  	_ =	swait.ge @p1 [sflag:s20], $0x28  }
0xaf: {  	[sflag:s20] =	ssyncset.done @p1 $0x0  }
0xb0: {  	[sflag:s20] =	ssyncadd.s32 @p1 $0xFFFFFFD8  }
0xb1: {  	_ =	swait.ge @p1 [sflag:s20], $0x1400  }
0xb2: {  	s23 =	simm.s32 @p1 $0x17900;
	[sflag:s20] =	ssyncset.done @p1 $0x0  }
0xb3: {  	s2 =	simm.s32 @p1 $0x28;
	[sflag:s20] =	ssyncadd.s32 @p1 $0xFFFFEC00;
	s20 =	simm.s32 @p1 $0x13A00  }
0xb4: {  	[spmem:s3] =	stream.indirect.scatter.add.f32 @p1 [tilespmem:s23], [sflag:$0xD], $0x80, s20, s2, $0xb8;
	[tilespmem:$0x1F100] =	vst v63  }
0xb5: {  	s20 =	simm.s32 @!p1 $0xA  }
0xb6: {  	_ =	swait.ge @!p1 [sflag:s20], $0x1400  }
0xb7: {  	[sflag:s20] =	ssyncset.done @!p1 $0x0  }
0xb8: {  	[sflag:s20] =	ssyncadd.s32 @!p1 $0xFFFFEC00  }
0xb9: {  	s20 =	sshrl.u32 @!p1 s9, $0x3;
	s23 =	rddreg [dreg:$0x1]  }
0xba: {  	s26 =	simm.s32 @!p1 $0x13880;
	s23 =	sadd.s32 @!p1 s23, s20;
	s20 =	simm.s32 @!p1 $0x0  }
0xbb: {  	[tilespmem:s26], [sflag:$0x1] =	stream.linear.gather @!p1 [hbm4b:s23+s20], $0x28, $0x38;
	[tilespmem:$0x1F100] =	vst v63  }
0xbc: {  	s23 =	sadd.s32 @!p1 s24, s22  }
0xbd: {  	s28 =	simm.s32 @!p1 $0x13D00;
	s26 =	sadd.s32 @!p1 $0x1680, s23  }
0xbe: {  	[tilespmem:s28], [sflag:$0x1] =	stream.linear.gather @!p1 [hbm4b:s26+s20], $0x1400, $0x38;
	[tilespmem:$0x1F100] =	vst v63  }
0xbf: {  	s26 =	simm.s32 @!p1 $0x4  }
0xc0: {  	_ =	swait.ge @!p1 [sflag:s26], $0x28  }
0xc1: {  	[sflag:s26] =	ssyncset.done @!p1 $0x0  }
0xc2: {  	[sflag:s26] =	ssyncadd.s32 @!p1 $0xFFFFFFD8  }
0xc3: {  	_ =	swait.ge @!p1 [sflag:s26], $0x1400  }
0xc4: {  	s29 =	simm.s32 @!p1 $0x17900;
	s30 =	simm.s32 @!p1 $0xB;
	[sflag:s26] =	ssyncset.done @!p1 $0x0  }
0xc5: {  	s28 =	simm.s32 @!p1 $0x13A00;
	[sflag:s26] =	ssyncadd.s32 @!p1 $0xFFFFEC00;
	s26 =	simm.s32 @!p1 $0x28  }
0xc6: {  	[spmem:s3] =	stream.indirect.scatter.add.f32 @!p1 [tilespmem:s29], [sflag:$0xD], $0x80, s28, s26, $0xb8;
	[tilespmem:$0x1F100] =	vst v63  }
0xc7: {  	_ =	swait.ge @!p1 [sflag:s30], $0x1400  }
0xc8: {  	[sflag:s30] =	ssyncset.done @!p1 $0x0  }
0xc9: {  	s31 =	simm.s32 @!p1 $0x13900;
	[sflag:s30] =	ssyncadd.s32 @!p1 $0xFFFFEC00;
	s30 =	sadd.s32 @!p1 s25, s0  }
0xca: {  	[tilespmem:s31], [sflag:$0x2] =	stream.linear.gather @!p1 [hbm4b:s30+s20], $0x28, $0x38;
	[tilespmem:$0x1F100] =	vst v63  }
0xcb: {  	s30 =	sadd.s32 @!p1 $0x1900, s23;
	s31 =	simm.s32 @!p1 $0x15100  }
0xcc: {  	[tilespmem:s31], [sflag:$0x2] =	stream.linear.gather @!p1 [hbm4b:s30+s20], $0x1400, $0x38;
	[tilespmem:$0x1F100] =	vst v63  }
0xcd: {  	_ =	swait.ge [sflag:s4], $0x28  }
0xce: {  	[sflag:s4] =	ssyncset.done $0x0  }
0xcf: {  	[sflag:s4] =	ssyncadd.s32 $0xFFFFFFD8  }
0xd0: {  	_ =	swait.ge [sflag:s4], $0x1400  }
0xd1: {  	[sflag:s4] =	ssyncset.done $0x0  }
0xd2: {  	s30 =	simm.s32 @p1 $0x6;
	[sflag:s4] =	ssyncadd.s32 $0xFFFFEC00  }
0xd3: {  	[spmem:s3] =	stream.indirect.scatter.add.f32 [tilespmem:s12], [sflag:$0xE], $0x80, s11, s18, $0xb8;
	[tilespmem:$0x1F100] =	vst v63  }
0xd4: {  	_ =	swait.ge @p1 [sflag:s30], $0x28  }
0xd5: {  	[sflag:s30] =	ssyncset.done @p1 $0x0  }
0xd6: {  	[sflag:s30] =	ssyncadd.s32 @p1 $0xFFFFFFD8  }
0xd7: {  	_ =	swait.ge @p1 [sflag:s30], $0x1400  }
0xd8: {  	[sflag:s30] =	ssyncset.done @p1 $0x0  }
0xd9: {  	s31 =	simm.s32 @p1 $0x1A100;
	[sflag:s30] =	ssyncadd.s32 @p1 $0xFFFFEC00;
	s30 =	simm.s32 @p1 $0x13B00  }
0xda: {  	[spmem:s3] =	stream.indirect.scatter.add.f32 @p1 [tilespmem:s31], [sflag:$0xF], $0x80, s30, s2, $0xb8;
	[tilespmem:$0x1F100] =	vst v63  }
0xdb: {  	s2 =	simm.s32 @!p1 $0xC  }
0xdc: {  	_ =	swait.ge @!p1 [sflag:s2], $0x1400  }
0xdd: {  	[sflag:s2] =	ssyncset.done @!p1 $0x0  }
0xde: {  	[sflag:s2] =	ssyncadd.s32 @!p1 $0xFFFFEC00;
	s2 =	rddreg [dreg:$0x1d]  }
0xdf: {  	s30 =	simm.s32 @!p1 $0x13980;
	s2 =	sadd.s32 @!p1 s25, s2  }
0xe0: {  	[tilespmem:s30], [sflag:$0x3] =	stream.linear.gather @!p1 [hbm4b:s2+s20], $0x28, $0x38;
	[tilespmem:$0x1F100] =	vst v63  }
0xe1: {  	s2 =	sadd.s32 @!p1 $0x1B80, s23;
	s30 =	simm.s32 @!p1 $0x16500  }
0xe2: {  	[tilespmem:s30], [sflag:$0x3] =	stream.linear.gather @!p1 [hbm4b:s2+s20], $0x1400, $0x38;
	[tilespmem:$0x1F100] =	vst v63  }
0xe3: {  	s2 =	simm.s32 @!p1 $0x6  }
0xe4: {  	_ =	swait.ge @!p1 [sflag:s2], $0x28  }
0xe5: {  	[sflag:s2] =	ssyncset.done @!p1 $0x0  }
0xe6: {  	[sflag:s2] =	ssyncadd.s32 @!p1 $0xFFFFFFD8  }
0xe7: {  	_ =	swait.ge @!p1 [sflag:s2], $0x1400  }
0xe8: {  	[sflag:s2] =	ssyncset.done @!p1 $0x0  }
0xe9: {  	s30 =	simm.s32 @!p1 $0x1A100;
	[sflag:s2] =	ssyncadd.s32 @!p1 $0xFFFFEC00;
	s2 =	simm.s32 @!p1 $0x13B00  }
0xea: {  	[spmem:s3] =	stream.indirect.scatter.add.f32 @!p1 [tilespmem:s30], [sflag:$0xF], $0x80, s2, s26, $0xb8;
	[tilespmem:$0x1F100] =	vst v63  }
0xeb: {  	s2 =	simm.s32 @!p1 $0xD  }
0xec: {  	_ =	swait.ge @!p1 [sflag:s2], $0x1400  }
0xed: {  	[sflag:s2] =	ssyncset.done @!p1 $0x0  }
0xee: {  	[sflag:s2] =	ssyncadd.s32 @!p1 $0xFFFFEC00;
	s2 =	rddreg [dreg:$0x1c]  }
0xef: {  	s2 =	sadd.s32 @!p1 s25, s2  }
0xf0: {  	[tilespmem:s28], [sflag:$0x4] =	stream.linear.gather @!p1 [hbm4b:s2+s20], $0x28, $0x38;
	[tilespmem:$0x1F100] =	vst v63  }
0xf1: {  	s2 =	sadd.s32 @!p1 $0x1E00, s23  }
0xf2: {  	[tilespmem:s29], [sflag:$0x4] =	stream.linear.gather @!p1 [hbm4b:s2+s20], $0x1400, $0x38;
	[tilespmem:$0x1F100] =	vst v63  }
0xf3: {  	_ =	swait.ge [sflag:s13], $0x28  }
0xf4: {  	[sflag:s13] =	ssyncset.done $0x0  }
.Ltmp6:
0xf5: {  	[sflag:s13] =	ssyncadd.s32 $0xFFFFFFD8;
	(pc) =	sbr.rel @p1 .LBB2_12-.Ltmp6, $4  }
0xf6: {  	_ =	swait.ge [sflag:s13], $0x1400  }
0xf7: {  	[sflag:s13] =	ssyncset.done $0x0  }
0xf8: {  	[sflag:s13] =	ssyncadd.s32 $0xFFFFEC00  }
0xf9: {  	[spmem:s3] =	stream.indirect.scatter.add.f32 [tilespmem:s16], [sflag:$0x10], $0x80, s15, s18, $0xb8;
	[tilespmem:$0x1F100] =	vst v63  }
0xfa: {  	_ =	swait.ge [sflag:s6], $0x1400  }
0xfb: {  	[sflag:s6] =	ssyncset.done $0x0;
	s2 =	rddreg [dreg:$0x1b]  }
0xfc: {  	[sflag:s6] =	ssyncadd.s32 $0xFFFFEC00;
	s2 =	sadd.s32 s25, s2  }
0xfd: {  	[tilespmem:s11], [sflag:$0x5] =	stream.linear.gather [hbm4b:s2+s5], $0x28, $0x38;
	[tilespmem:$0x1F100] =	vst v63  }
0xfe: {  	s2 =	sadd.s32 s24, s22  }
0xff: {  	s20 =	sadd.s32 $0x2080, s2  }
0x100: {  	[tilespmem:s12], [sflag:$0x5] =	stream.linear.gather [hbm4b:s20+s5], $0x1400, $0x38;
	[tilespmem:$0x1F100] =	vst v63  }
0x101: {  	_ =	swait.ge [sflag:s10], $0x28  }
0x102: {  	[sflag:s10] =	ssyncset.done $0x0  }
0x103: {  	[sflag:s10] =	ssyncadd.s32 $0xFFFFFFD8  }
0x104: {  	_ =	swait.ge [sflag:s10], $0x1400  }
0x105: {  	[sflag:s10] =	ssyncset.done $0x0  }
0x106: {  	s29 =	simm.s32 $0x13C00;
	s23 =	simm.s32 $0x1C900;
	[sflag:s10] =	ssyncadd.s32 $0xFFFFEC00  }
0x107: {  	[spmem:s3] =	stream.indirect.scatter.add.f32 [tilespmem:s23], [sflag:$0x11], $0x80, s29, s18, $0xb8;
	[tilespmem:$0x1F100] =	vst v63  }
0x108: {  	_ =	swait.ge [sflag:s14], $0x1400  }
0x109: {  	[sflag:s14] =	ssyncset.done $0x0;
	s30 =	rddreg [dreg:$0x1a]  }
0x10a: {  	s31 =	simm.s32 $0x13B00;
	[sflag:s14] =	ssyncadd.s32 $0xFFFFEC00;
	s20 =	sadd.s32 s25, s30  }
0x10b: {  	[tilespmem:s31], [sflag:$0x6] =	stream.linear.gather [hbm4b:s20+s5], $0x28, $0x38;
	[tilespmem:$0x1F100] =	vst v63  }
0x10c: {  	s28 =	simm.s32 $0x1A100;
	s26 =	sadd.s32 $0x2300, s2  }
0x10d: {  	[tilespmem:s28], [sflag:$0x6] =	stream.linear.gather [hbm4b:s26+s5], $0x1400, $0x38;
	[tilespmem:$0x1F100] =	vst v63  }
0x10e: {  	_ =	swait.ge [sflag:s8], $0x28  }
0x10f: {  	[sflag:s8] =	ssyncset.done $0x0  }
0x110: {  	[sflag:s8] =	ssyncadd.s32 $0xFFFFFFD8  }
0x111: {  	_ =	swait.ge [sflag:s8], $0x1400  }
0x112: {  	[sflag:s8] =	ssyncset.done $0x0  }
0x113: {  	s29 =	simm.s32 $0x13C80;
	s30 =	simm.s32 $0x1DD00;
	[sflag:s8] =	ssyncadd.s32 $0xFFFFEC00  }
0x114: {  	[spmem:s3] =	stream.indirect.scatter.add.f32 [tilespmem:s30], [sflag:$0x12], $0x80, s29, s18, $0xb8;
	[tilespmem:$0x1F100] =	vst v63  }
0x115: {  	s19 =	sadd.s32 $0x1, s19;
	_ =	swait.ge [sflag:s7], $0x1400  }
.Ltmp7:
0x116: {  	[sflag:s7] =	ssyncset.done $0x0;
	s31 =	rddreg [dreg:$0x19];
	(pc) =	sbr.rel .LBB2_2-.Ltmp7, $4  }
0x117: {  	s9 =	sadd.s32 $0x168, s9;
	[sflag:s7] =	ssyncadd.s32 $0xFFFFEC00;
	s20 =	sadd.s32 s25, s31  }
0x118: {  	[tilespmem:s15], [sflag:$0x7] =	stream.linear.gather [hbm4b:s20+s5], $0x28, $0x38;
	[tilespmem:$0x1F100] =	vst v63  }
0x119: {  	s24 =	sadd.s32 $0x1680, s24;
	s2 =	sadd.s32 $0x2580, s2;
	s25 =	sadd.s32 $0x2D, s25  }
0x11a: {  	[tilespmem:s16], [sflag:$0x7] =	stream.linear.gather [hbm4b:s2+s5], $0x1400, $0x38;
	[tilespmem:$0x1F100] =	vst v63  }
.LBB2_13:
0x11b: {  	_ =	sfence.sel $0x180000  }
0x11c: {  	[bflag:$0x0] =	sbarrier.arrive $0xFFFF  }
0x11d: {  	_ =	strace $0x90000047  }
0x11e: {  	s0 =	stileid.u32;
	[bflag:$0x2] =	sbarrier.arrive $0xFFFF  }
0x11f: {  	p0 =	sne.s32 s0, $0x0;
	s0 =	rddreg [dreg:$0x5]  }
0x120: {  	s0 =	sadd.s32 @!p0 $0x100000, s0  }
0x121: {  	[sflag:s0] =	ssyncadd.tile.s32 @!p0 $0x1;
	_ =	shalt  }
.Lfunc_end2:
_tile_overlayer_lowered:
.L_overlay_start_2:
0x122: {  	(tag) =	ssettag $0x2  }
0x123: {  	s0 =	rddreg [dreg:$0x0];
	s2 =	stileid.u32  }
0x124: {  	s1 =	rddreg [dreg:$0x1];
	p0 =	sne.s32 s2, $0x0  }
0x125: {  	s3 =	rddreg [dreg:$0x2];
	[bflag:$0x3] =	sbarrier.arrive $0xFFFF;
	s2 =	simm.s32 @!p0 $0x1C13  }
0x126: {  	[timem:s3], [sflag:s2] =	dma.local @!p0 [hbm:s0], s1  }
0x127: {  	s0 =	simm.s32 @!p0 $0x13  }
0x128: {  	_ =	swait.ge @!p0 [sflag:s0], s1  }
0x129: {  	s1 =	ssub.s32 @!p0 $0x0, s1;
	[sflag:s0] =	ssyncset.done @!p0 $0x0  }
0x12a: {  	[sflag:s0] =	ssyncadd.s32 @!p0 s1  }
0x12b: {  	[bflag:$0x3] =	sbarrier.arrive $0xFFFF  }
0x12c: {  	_ =	shalt  }

</sc_bundles>
